<compile_context>
chip_gen: v7x
topology: tpu7x:2x2x1
jax: 0.10.2.dev20260603
libtpu: 0.0.44.dev20260713+nightly
codegen_flags: <defaults>
</compile_context>

<pallas_src>
import functools

import jax
import jax.numpy as jnp
from jax import lax
from jax.experimental import pallas as pl
from jax.experimental.pallas import tpu as pltpu
from jax.experimental.pallas import tpu_sc as plsc

B, K, CH = 64, 32768, 16
L = 16
NC, NS = 2, 16
NW = NC * NS
NB_SC = 20
NBLK_SC = NB_SC * 2
BLK_PER_W = 2
NWA = NBLK_SC // BLK_PER_W
KT = 256
TK = 32
NCHUNK = KT // TK
CHUNKS_PER_W = BLK_PER_W * NCHUNK
IMAX = 2**31 - 1


def _scan_chunk(buf, t0, carries):
    iota = lax.iota(jnp.int32, L)

    def tbody(t, flat):
        bests = list(flat[0::2])
        bidxs = list(flat[1::2])
        kbase = (t0 + t) * 128
        for j in range(8):
            idx = iota + (kbase + j * L)
            for c in range(8):
                v = buf[t, c, pl.ds(j * L, L)]
                mask = v < bests[c]
                bests[c] = jnp.minimum(bests[c], v)
                bidxs[c] = jnp.where(mask, idx, bidxs[c])
        return tuple(y for b, i in zip(bests, bidxs) for y in (b, i))

    flat = lax.fori_loop(
        0, TK, tbody, tuple(y for carry in carries for y in carry)
    )
    return [(flat[2 * c], flat[2 * c + 1]) for c in range(8)]


@functools.partial(
    pl.kernel,
    out_type=jax.ShapeDtypeStruct((NB_SC, 1, CH), jnp.int32),
    mesh=plsc.VectorSubcoreMesh(core_axis_name="c", subcore_axis_name="s"),
    scratch_types=[
        pltpu.VMEM((TK, 8, 128), jnp.float32),
        pltpu.VMEM((TK, 8, 128), jnp.float32),
        pltpu.VMEM((BLK_PER_W // 2, 1, CH), jnp.int32),
        pltpu.SemaphoreType.DMA,
        pltpu.SemaphoreType.DMA,
    ],
    compiler_params=pltpu.CompilerParams(
        use_tc_tiling_on_sc=False, needs_layout_passes=False
    ),
)
def _argmin_sc(z_hbm, out_hbm, buf0, buf1, outbuf, sem0, sem1):
    wid = lax.axis_index("s") * NC + lax.axis_index("c")

    @pl.when(wid < NWA)
    def _body():
        _worker(z_hbm, out_hbm, buf0, buf1, outbuf, sem0, sem1, wid)


def _worker(z_hbm, out_hbm, buf0, buf1, outbuf, sem0, sem1, wid):
    blk0 = wid * BLK_PER_W

    bufs = (buf0, buf1)
    sems = (sem0, sem1)

    def start(g, parity):
        gc = jnp.minimum(g, CHUNKS_PER_W - 1)
        blk = blk0 + gc // NCHUNK
        t0 = (gc % NCHUNK) * TK
        pltpu.async_copy(z_hbm.at[blk, pl.ds(t0, TK)], bufs[parity],
                         sems[parity])

    def wait(parity):
        pltpu.make_async_copy(
            z_hbm.at[0, pl.ds(0, TK)], bufs[parity], sems[parity]
        ).wait()

    start(0, 0)
    start(1, 1)

    lane = lax.iota(jnp.int32, L)

    def blk_body(blk, acc):
        carries = [(jnp.full((L,), jnp.inf, jnp.float32),
                    jnp.full((L,), 0, jnp.int32)) for _ in range(8)]

        def pbody(p, flat):
            carries = [(flat[2 * c], flat[2 * c + 1]) for c in range(8)]
            for parity in range(2):
                g = blk * NCHUNK + 2 * p + parity
                wait(parity)
                carries = _scan_chunk(bufs[parity], (2 * p + parity) * TK,
                                      carries)
                start(g + 2, parity)
            return tuple(y for carry in carries for y in carry)

        flat = lax.fori_loop(0, NCHUNK // 2, pbody,
                             tuple(y for carry in carries for y in carry))

        c_grp = lax.rem(blk, 2)
        for c in range(8):
            best, bidx = flat[2 * c], flat[2 * c + 1]
            m = lax.reduce_min(best, (0,))
            cand = jnp.where(best == m, bidx, IMAX)
            r = lax.reduce_min(cand, (0,))
            acc = jnp.where(lane == 8 * c_grp + c, r, acc)

        @pl.when(c_grp == 1)
        def _store():
            outbuf[lax.div(blk, 2), 0] = acc

        return acc

    lax.fori_loop(0, BLK_PER_W, blk_body, jnp.full((L,), 0, jnp.int32))

    wait(0)
    wait(1)
    pltpu.sync_copy(outbuf, out_hbm.at[pl.ds(wid * (BLK_PER_W // 2),
                                             BLK_PER_W // 2)])


def _tc_body(z_ref, o_ref):
    for g in range(8):
        v = z_ref[g]
        m1 = jnp.min(v, axis=0)
        i0 = lax.broadcasted_iota(jnp.int32, (KT, 8, 128), 0)
        t_first = jnp.min(jnp.where(v == m1[None], i0, IMAX), axis=0)
        m = jnp.min(m1, axis=1, keepdims=True)
        kin = lax.broadcasted_iota(jnp.int32, (8, 128), 1)
        cand = jnp.where(m1 == m, t_first * 128 + kin, IMAX)
        o_ref[g // 2, 0, g % 2] = jnp.min(cand, axis=1)


_argmin_tc = pl.pallas_call(
    _tc_body,
    grid=((B - NB_SC) // 4,),
    in_specs=[
        pl.BlockSpec((8, KT, 8, 128), lambda i: (NB_SC // 4 + i, 0, 0, 0))
    ],
    out_specs=pl.BlockSpec((4, 1, 2, 8), lambda i: (i, 0, 0, 0)),
    out_shape=jax.ShapeDtypeStruct((B - NB_SC, 1, 2, 8), jnp.int32),
)


def kernel(x):
    z = x.reshape(B, KT, 128, 2, 8).transpose(0, 3, 1, 4, 2)
    z = z.reshape(2 * B, KT, 8, 128)
    lo = _argmin_sc(z)
    hi = _argmin_tc(z).reshape(B - NB_SC, 1, CH)
    return jnp.concatenate([lo, hi], axis=0).astype(jnp.int64)

# --- scband reference (transcript-rebuilt; emitter-appended) ---
"""Pipeline reference for scband-model-new-14723147890985 (READ-ONLY COPY).

The authoritative reference and input builder live on the scoring server;
editing this copy changes nothing except your own understanding.
"""

import jax, jax.numpy as jnp
import numpy as np

def setup_inputs(seed: int = 0) -> dict:
    key = jax.random.key(seed)
    x = jax.random.normal(key, (64, 32768, 16), dtype=jnp.float32)
    return {"x": x}

def reference(x):
    # Faithful translation of ModelNew.forward: argmin along dim=1 with the
    # reduced dim kept as size 1 (output_shape[dim] = 1 in the torch wrapper),
    # output dtype int64.
    out = jnp.argmin(x, axis=1, keepdims=True).astype(jnp.int64)
    return out

if __name__ == "__main__":
    import jax
    _d = setup_inputs()
    print(jax.jit(kernel)(*tuple(_d.values())))

</pallas_src>

<mosaic_0001>
#map = affine_map<(d0, d1) -> (0, 0, 0, 0)>
#map1 = affine_map<(d0, d1) -> (0, 0, 0)>
module attributes {stable_mosaic.version = 14 : i64} {
  func.func @_argmin_sc(%arg0: i32, %arg1: i32, %arg2: memref<128x256x8x128xf32, #tpu.memory_space<hbm>>, %arg3: memref<20x1x16xi32, #tpu.memory_space<hbm>>, %arg4: memref<32x8x128xf32, #tpu.memory_space<vmem>>, %arg5: memref<32x8x128xf32, #tpu.memory_space<vmem>>, %arg6: memref<1x1x16xi32, #tpu.memory_space<vmem>>, %arg7: memref<!tpu.dma_semaphore, #tpu.memory_space<semaphore_mem>>, %arg8: memref<!tpu.dma_semaphore, #tpu.memory_space<semaphore_mem>>) attributes {dimension_semantics = [#tpu.dimension_semantics<core_parallel>, #tpu.dimension_semantics<subcore_parallel>], iteration_bounds = array<i64: 2, 16>, scalar_prefetch = 0 : i64, scratch_operands = 5 : i64, tpu.core_type = #tpu.core_type<sc_vector_subcore>, window_params = [{transform_indices = #map}, {transform_indices = #map1}]} {
    %mul3A = arith.constant 2 : i32
    %mul3A_0 = arith.muli %arg1, %mul3A : i32
    %add3A = arith.addi %mul3A_0, %arg0 : i32
    %lt3A = arith.constant 20 : i32
    %lt3A_1 = arith.cmpi slt, %add3A, %lt3A : i32
    %convert_element_type3A = arith.extui %lt3A_1 : i1 to i32
    %cond3A = arith.constant 0 : i32
    %cond3A_2 = arith.cmpi ne, %convert_element_type3A, %cond3A : i32
    scf.if %cond3A_2 {
      %mul3A_3 = arith.constant 2 : i32
      %mul3A_4 = arith.muli %add3A, %mul3A_3 : i32
      %min3A = arith.constant 0 : i32
      %min3A_5 = arith.constant 15 : i32
      %min3A_6 = arith.minsi %min3A, %min3A_5 : i32
      %jit3A = arith.constant 8 : i32
      %div3A = arith.divsi %min3A_6, %jit3A : i32
      %sign3A = arith.constant 0 : i32
      %sign3A_7 = arith.cmpi sgt, %min3A_6, %sign3A : i32
      %sign3A_8 = arith.extui %sign3A_7 : i1 to i32
      %sign3A_9 = arith.constant 0 : i32
      %sign3A_10 = arith.cmpi slt, %min3A_6, %sign3A_9 : i32
      %sign3A_11 = arith.extui %sign3A_10 : i1 to i32
      %sign3A_12 = arith.subi %sign3A_8, %sign3A_11 : i32
      %sign3A_13 = arith.constant 0 : i32
      %sign3A_14 = arith.cmpi sgt, %jit3A, %sign3A_13 : i32
      %sign3A_15 = arith.extui %sign3A_14 : i1 to i32
      %sign3A_16 = arith.constant 0 : i32
      %sign3A_17 = arith.cmpi slt, %jit3A, %sign3A_16 : i32
      %sign3A_18 = arith.extui %sign3A_17 : i1 to i32
      %sign3A_19 = arith.subi %sign3A_15, %sign3A_18 : i32
      %ne3A = arith.cmpi ne, %sign3A_12, %sign3A_19 : i32
      %rem3A = arith.remsi %min3A_6, %jit3A : i32
      %ne3A_20 = arith.constant 0 : i32
      %ne3A_21 = arith.cmpi ne, %rem3A, %ne3A_20 : i32
      %and3A = arith.andi %ne3A, %ne3A_21 : i1
      %sub3A = arith.constant 1 : i32
      %sub3A_22 = arith.subi %div3A, %sub3A : i32
      %select_n3A = arith.select %and3A, %sub3A_22, %div3A : i32
      %add3A_23 = arith.addi %mul3A_4, %select_n3A : i32
      %jit3A_24 = arith.constant 8 : i32
      %eq3A = arith.constant 0 : i32
      %eq3A_25 = arith.cmpi eq, %jit3A_24, %eq3A : i32
      %jit3A_26 = arith.constant 1 : i32
      %select_n3A_27 = arith.select %eq3A_25, %jit3A_26, %jit3A_24 : i32
      %rem3A_28 = arith.remsi %min3A_6, %select_n3A_27 : i32
      %ne3A_29 = arith.constant 0 : i32
      %ne3A_30 = arith.cmpi ne, %rem3A_28, %ne3A_29 : i32
      %lt3A_31 = arith.constant 0 : i32
      %lt3A_32 = arith.cmpi slt, %rem3A_28, %lt3A_31 : i32
      %lt3A_33 = arith.constant 0 : i32
      %lt3A_34 = arith.cmpi slt, %select_n3A_27, %lt3A_33 : i32
      %ne3A_35 = arith.xori %lt3A_32, %lt3A_34 : i1
      %and3A_36 = arith.andi %ne3A_35, %ne3A_30 : i1
      %add3A_37 = arith.addi %rem3A_28, %select_n3A_27 : i32
      %select_n3A_38 = arith.select %and3A_36, %add3A_37, %rem3A_28 : i32
      %mul3A_39 = arith.constant 32 : i32
      %mul3A_40 = arith.muli %select_n3A_38, %mul3A_39 : i32
      %dma_start3A = arith.constant 0 : i32
      %dma_start3A_41 = arith.constant 0 : i32
      %dma_start3A_42 = tpu.memref_slice %arg2[%add3A_23, %mul3A_40, %dma_start3A, %dma_start3A_41] : memref<128x256x8x128xf32, #tpu.memory_space<hbm>> -> memref<1x32x8x128xf32, #tpu.memory_space<hbm>>
      %dma_start3A_43 = tpu.memref_squeeze %dma_start3A_42 : memref<1x32x8x128xf32, #tpu.memory_space<hbm>> -> memref<32x8x128xf32, #tpu.memory_space<hbm>>
      %dma_start3A_44 = arith.constant 0 : i32
      %dma_start3A_45 = arith.constant 0 : i32
      %dma_start3A_46 = tpu.memref_slice %arg2[%add3A_23, %mul3A_40, %dma_start3A_44, %dma_start3A_45] : memref<128x256x8x128xf32, #tpu.memory_space<hbm>> -> memref<1x32x8x128xf32, #tpu.memory_space<hbm>>
      %dma_start3A_47 = tpu.memref_squeeze %dma_start3A_46 : memref<1x32x8x128xf32, #tpu.memory_space<hbm>> -> memref<32x8x128xf32, #tpu.memory_space<hbm>>
      tpu.enqueue_dma source(%dma_start3A_47 : memref<32x8x128xf32, #tpu.memory_space<hbm>>) target(%arg4 : memref<32x8x128xf32, #tpu.memory_space<vmem>>) target_semaphore(%arg7 : memref<!tpu.dma_semaphore, #tpu.memory_space<semaphore_mem>>)
      %min3A_48 = arith.constant 1 : i32
      %min3A_49 = arith.constant 15 : i32
      %min3A_50 = arith.minsi %min3A_48, %min3A_49 : i32
      %jit3A_51 = arith.constant 8 : i32
      %div3A_52 = arith.divsi %min3A_50, %jit3A_51 : i32
      %sign3A_53 = arith.constant 0 : i32
      %sign3A_54 = arith.cmpi sgt, %min3A_50, %sign3A_53 : i32
      %sign3A_55 = arith.extui %sign3A_54 : i1 to i32
      %sign3A_56 = arith.constant 0 : i32
      %sign3A_57 = arith.cmpi slt, %min3A_50, %sign3A_56 : i32
      %sign3A_58 = arith.extui %sign3A_57 : i1 to i32
      %sign3A_59 = arith.subi %sign3A_55, %sign3A_58 : i32
      %sign3A_60 = arith.constant 0 : i32
      %sign3A_61 = arith.cmpi sgt, %jit3A_51, %sign3A_60 : i32
      %sign3A_62 = arith.extui %sign3A_61 : i1 to i32
      %sign3A_63 = arith.constant 0 : i32
      %sign3A_64 = arith.cmpi slt, %jit3A_51, %sign3A_63 : i32
      %sign3A_65 = arith.extui %sign3A_64 : i1 to i32
      %sign3A_66 = arith.subi %sign3A_62, %sign3A_65 : i32
      %ne3A_67 = arith.cmpi ne, %sign3A_59, %sign3A_66 : i32
      %rem3A_68 = arith.remsi %min3A_50, %jit3A_51 : i32
      %ne3A_69 = arith.constant 0 : i32
      %ne3A_70 = arith.cmpi ne, %rem3A_68, %ne3A_69 : i32
      %and3A_71 = arith.andi %ne3A_67, %ne3A_70 : i1
      %sub3A_72 = arith.constant 1 : i32
      %sub3A_73 = arith.subi %div3A_52, %sub3A_72 : i32
      %select_n3A_74 = arith.select %and3A_71, %sub3A_73, %div3A_52 : i32
      %add3A_75 = arith.addi %mul3A_4, %select_n3A_74 : i32
      %jit3A_76 = arith.constant 8 : i32
      %eq3A_77 = arith.constant 0 : i32
      %eq3A_78 = arith.cmpi eq, %jit3A_76, %eq3A_77 : i32
      %jit3A_79 = arith.constant 1 : i32
      %select_n3A_80 = arith.select %eq3A_78, %jit3A_79, %jit3A_76 : i32
      %rem3A_81 = arith.remsi %min3A_50, %select_n3A_80 : i32
      %ne3A_82 = arith.constant 0 : i32
      %ne3A_83 = arith.cmpi ne, %rem3A_81, %ne3A_82 : i32
      %lt3A_84 = arith.constant 0 : i32
      %lt3A_85 = arith.cmpi slt, %rem3A_81, %lt3A_84 : i32
      %lt3A_86 = arith.constant 0 : i32
      %lt3A_87 = arith.cmpi slt, %select_n3A_80, %lt3A_86 : i32
      %ne3A_88 = arith.xori %lt3A_85, %lt3A_87 : i1
      %and3A_89 = arith.andi %ne3A_88, %ne3A_83 : i1
      %add3A_90 = arith.addi %rem3A_81, %select_n3A_80 : i32
      %select_n3A_91 = arith.select %and3A_89, %add3A_90, %rem3A_81 : i32
      %mul3A_92 = arith.constant 32 : i32
      %mul3A_93 = arith.muli %select_n3A_91, %mul3A_92 : i32
      %dma_start3A_94 = arith.constant 0 : i32
      %dma_start3A_95 = arith.constant 0 : i32
      %dma_start3A_96 = tpu.memref_slice %arg2[%add3A_75, %mul3A_93, %dma_start3A_94, %dma_start3A_95] : memref<128x256x8x128xf32, #tpu.memory_space<hbm>> -> memref<1x32x8x128xf32, #tpu.memory_space<hbm>>
      %dma_start3A_97 = tpu.memref_squeeze %dma_start3A_96 : memref<1x32x8x128xf32, #tpu.memory_space<hbm>> -> memref<32x8x128xf32, #tpu.memory_space<hbm>>
      %dma_start3A_98 = arith.constant 0 : i32
      %dma_start3A_99 = arith.constant 0 : i32
      %dma_start3A_100 = tpu.memref_slice %arg2[%add3A_75, %mul3A_93, %dma_start3A_98, %dma_start3A_99] : memref<128x256x8x128xf32, #tpu.memory_space<hbm>> -> memref<1x32x8x128xf32, #tpu.memory_space<hbm>>
      %dma_start3A_101 = tpu.memref_squeeze %dma_start3A_100 : memref<1x32x8x128xf32, #tpu.memory_space<hbm>> -> memref<32x8x128xf32, #tpu.memory_space<hbm>>
      tpu.enqueue_dma source(%dma_start3A_101 : memref<32x8x128xf32, #tpu.memory_space<hbm>>) target(%arg5 : memref<32x8x128xf32, #tpu.memory_space<vmem>>) target_semaphore(%arg8 : memref<!tpu.dma_semaphore, #tpu.memory_space<semaphore_mem>>)
      %iota3A = tpu.iota {dimensions = array<i32: 0>} : vector<16xi32>
      %broadcast_in_dim3A = arith.constant 0 : i32
      %broadcast_in_dim3A_102 = vector.broadcast %broadcast_in_dim3A : i32 to vector<16xi32>
      %scan3A = arith.constant 0 : i32
      %scan3A_103 = arith.constant 2 : i32
      %scan3A_104 = arith.addi %scan3A, %scan3A_103 : i32
      %scan3A_105 = arith.constant 1 : i32
      %scan3A_106 = scf.for %scan3A_131 = %scan3A to %scan3A_104 step %scan3A_105 iter_args(%scan3A_132 = %broadcast_in_dim3A_102) -> (vector<16xi32>)  : i32 {
        %broadcast_in_dim3A_133 = arith.constant 0x7F800000 : f32
        %broadcast_in_dim3A_134 = vector.broadcast %broadcast_in_dim3A_133 : f32 to vector<16xf32>
        %broadcast_in_dim3A_135 = arith.constant 0 : i32
        %broadcast_in_dim3A_136 = vector.broadcast %broadcast_in_dim3A_135 : i32 to vector<16xi32>
        %broadcast_in_dim3A_137 = arith.constant 0x7F800000 : f32
        %broadcast_in_dim3A_138 = vector.broadcast %broadcast_in_dim3A_137 : f32 to vector<16xf32>
        %broadcast_in_dim3A_139 = arith.constant 0 : i32
        %broadcast_in_dim3A_140 = vector.broadcast %broadcast_in_dim3A_139 : i32 to vector<16xi32>
        %broadcast_in_dim3A_141 = arith.constant 0x7F800000 : f32
        %broadcast_in_dim3A_142 = vector.broadcast %broadcast_in_dim3A_141 : f32 to vector<16xf32>
        %broadcast_in_dim3A_143 = arith.constant 0 : i32
        %broadcast_in_dim3A_144 = vector.broadcast %broadcast_in_dim3A_143 : i32 to vector<16xi32>
        %broadcast_in_dim3A_145 = arith.constant 0x7F800000 : f32
        %broadcast_in_dim3A_146 = vector.broadcast %broadcast_in_dim3A_145 : f32 to vector<16xf32>
        %broadcast_in_dim3A_147 = arith.constant 0 : i32
        %broadcast_in_dim3A_148 = vector.broadcast %broadcast_in_dim3A_147 : i32 to vector<16xi32>
        %broadcast_in_dim3A_149 = arith.constant 0x7F800000 : f32
        %broadcast_in_dim3A_150 = vector.broadcast %broadcast_in_dim3A_149 : f32 to vector<16xf32>
        %broadcast_in_dim3A_151 = arith.constant 0 : i32
        %broadcast_in_dim3A_152 = vector.broadcast %broadcast_in_dim3A_151 : i32 to vector<16xi32>
        %broadcast_in_dim3A_153 = arith.constant 0x7F800000 : f32
        %broadcast_in_dim3A_154 = vector.broadcast %broadcast_in_dim3A_153 : f32 to vector<16xf32>
        %broadcast_in_dim3A_155 = arith.constant 0 : i32
        %broadcast_in_dim3A_156 = vector.broadcast %broadcast_in_dim3A_155 : i32 to vector<16xi32>
        %broadcast_in_dim3A_157 = arith.constant 0x7F800000 : f32
        %broadcast_in_dim3A_158 = vector.broadcast %broadcast_in_dim3A_157 : f32 to vector<16xf32>
        %broadcast_in_dim3A_159 = arith.constant 0 : i32
        %broadcast_in_dim3A_160 = vector.broadcast %broadcast_in_dim3A_159 : i32 to vector<16xi32>
        %broadcast_in_dim3A_161 = arith.constant 0x7F800000 : f32
        %broadcast_in_dim3A_162 = vector.broadcast %broadcast_in_dim3A_161 : f32 to vector<16xf32>
        %broadcast_in_dim3A_163 = arith.constant 0 : i32
        %broadcast_in_dim3A_164 = vector.broadcast %broadcast_in_dim3A_163 : i32 to vector<16xi32>
        %scan3A_165 = arith.constant 0 : i32
        %scan3A_166 = arith.constant 4 : i32
        %scan3A_167 = arith.addi %scan3A_165, %scan3A_166 : i32
        %scan3A_168 = arith.constant 1 : i32
        %scan3A_169:16 = scf.for %scan3A_377 = %scan3A_165 to %scan3A_167 step %scan3A_168 iter_args(%scan3A_378 = %broadcast_in_dim3A_134, %scan3A_379 = %broadcast_in_dim3A_136, %scan3A_380 = %broadcast_in_dim3A_138, %scan3A_381 = %broadcast_in_dim3A_140, %scan3A_382 = %broadcast_in_dim3A_142, %scan3A_383 = %broadcast_in_dim3A_144, %scan3A_384 = %broadcast_in_dim3A_146, %scan3A_385 = %broadcast_in_dim3A_148, %scan3A_386 = %broadcast_in_dim3A_150, %scan3A_387 = %broadcast_in_dim3A_152, %scan3A_388 = %broadcast_in_dim3A_154, %scan3A_389 = %broadcast_in_dim3A_156, %scan3A_390 = %broadcast_in_dim3A_158, %scan3A_391 = %broadcast_in_dim3A_160, %scan3A_392 = %broadcast_in_dim3A_162, %scan3A_393 = %broadcast_in_dim3A_164) -> (vector<16xf32>, vector<16xi32>, vector<16xf32>, vector<16xi32>, vector<16xf32>, vector<16xi32>, vector<16xf32>, vector<16xi32>, vector<16xf32>, vector<16xi32>, vector<16xf32>, vector<16xi32>, vector<16xf32>, vector<16xi32>, vector<16xf32>, vector<16xi32>)  : i32 {
          %mul3A_394 = arith.constant 8 : i32
          %mul3A_395 = arith.muli %scan3A_131, %mul3A_394 : i32
          %mul3A_396 = arith.constant 2 : i32
          %mul3A_397 = arith.muli %mul3A_396, %scan3A_377 : i32
          %add3A_398 = arith.addi %mul3A_395, %mul3A_397 : i32
          %add3A_399 = arith.constant 0 : i32
          %add3A_400 = arith.addi %add3A_398, %add3A_399 : i32
          %dma_wait3A_401 = arith.constant 0 : i32
          %dma_wait3A_402 = arith.constant 0 : i32
          %dma_wait3A_403 = arith.constant 0 : i32
          %dma_wait3A_404 = arith.constant 0 : i32
          %dma_wait3A_405 = tpu.memref_slice %arg2[%dma_wait3A_401, %dma_wait3A_402, %dma_wait3A_403, %dma_wait3A_404] : memref<128x256x8x128xf32, #tpu.memory_space<hbm>> -> memref<1x32x8x128xf32, #tpu.memory_space<hbm>>
          %dma_wait3A_406 = tpu.memref_squeeze %dma_wait3A_405 : memref<1x32x8x128xf32, #tpu.memory_space<hbm>> -> memref<32x8x128xf32, #tpu.memory_space<hbm>>
          %dma_wait3A_407 = arith.constant 0 : i32
          %dma_wait3A_408 = arith.constant 0 : i32
          %dma_wait3A_409 = arith.constant 0 : i32
          %dma_wait3A_410 = tpu.memref_slice %arg2[%dma_wait3A_401, %dma_wait3A_407, %dma_wait3A_408, %dma_wait3A_409] : memref<128x256x8x128xf32, #tpu.memory_space<hbm>> -> memref<1x32x8x128xf32, #tpu.memory_space<hbm>>
          %dma_wait3A_411 = tpu.memref_squeeze %dma_wait3A_410 : memref<1x32x8x128xf32, #tpu.memory_space<hbm>> -> memref<32x8x128xf32, #tpu.memory_space<hbm>>
          tpu.wait_dma2 semaphore(%arg7 : memref<!tpu.dma_semaphore, #tpu.memory_space<semaphore_mem>>) src(%dma_wait3A_411 : memref<32x8x128xf32, #tpu.memory_space<hbm>>) dst(%arg4 : memref<32x8x128xf32, #tpu.memory_space<vmem>>)
          %mul3A_412 = arith.constant 2 : i32
          %mul3A_413 = arith.muli %mul3A_412, %scan3A_377 : i32
          %add3A_414 = arith.constant 0 : i32
          %add3A_415 = arith.addi %mul3A_413, %add3A_414 : i32
          %mul3A_416 = arith.constant 32 : i32
          %mul3A_417 = arith.muli %add3A_415, %mul3A_416 : i32
          %iota3A_418 = tpu.iota {dimensions = array<i32: 0>} : vector<16xi32>
          %scan3A_419 = arith.constant 0 : i32
          %scan3A_420 = arith.constant 32 : i32
          %scan3A_421 = arith.addi %scan3A_419, %scan3A_420 : i32
          %scan3A_422 = arith.constant 1 : i32
          %scan3A_423:16 = scf.for %scan3A_566 = %scan3A_419 to %scan3A_421 step %scan3A_422 iter_args(%scan3A_567 = %scan3A_378, %scan3A_568 = %scan3A_379, %scan3A_569 = %scan3A_380, %scan3A_570 = %scan3A_381, %scan3A_571 = %scan3A_382, %scan3A_572 = %scan3A_383, %scan3A_573 = %scan3A_384, %scan3A_574 = %scan3A_385, %scan3A_575 = %scan3A_386, %scan3A_576 = %scan3A_387, %scan3A_577 = %scan3A_388, %scan3A_578 = %scan3A_389, %scan3A_579 = %scan3A_390, %scan3A_580 = %scan3A_391, %scan3A_581 = %scan3A_392, %scan3A_582 = %scan3A_393) -> (vector<16xf32>, vector<16xi32>, vector<16xf32>, vector<16xi32>, vector<16xf32>, vector<16xi32>, vector<16xf32>, vector<16xi32>, vector<16xf32>, vector<16xi32>, vector<16xf32>, vector<16xi32>, vector<16xf32>, vector<16xi32>, vector<16xf32>, vector<16xi32>)  : i32 {
            %add3A_583 = arith.addi %mul3A_417, %scan3A_566 : i32
            %mul3A_584 = arith.constant 128 : i32
            %mul3A_585 = arith.muli %add3A_583, %mul3A_584 : i32
            %add3A_586 = arith.constant 0 : i32
            %add3A_587 = arith.addi %mul3A_585, %add3A_586 : i32
            %add3A_588 = vector.broadcast %add3A_587 : i32 to vector<16xi32>
            %add3A_589 = arith.addi %iota3A_418, %add3A_588 : vector<16xi32>
            %get3A = arith.constant 0 : i32
            %get3A_590 = arith.index_cast %scan3A_566 : i32 to index
            %get3A_591 = arith.index_cast %get3A : i32 to index
            %get3A_592 = arith.constant 0 : index
            %get3A_593 = tpu.vector_load %arg4[%get3A_590, %get3A_591, %get3A_592] {strides = array<i32>} : memref<32x8x128xf32, #tpu.memory_space<vmem>>, vector<16xf32>,
            %lt3A_594 = arith.cmpf olt, %get3A_593, %scan3A_567 : vector<16xf32>
            %min3A_595 = arith.minimumf %scan3A_567, %get3A_593 : vector<16xf32>
            %select_n3A_596 = arith.select %lt3A_594, %add3A_589, %scan3A_568 : vector<16xi1>, vector<16xi32>
            %get3A_597 = arith.constant 1 : i32
            %get3A_598 = arith.index_cast %scan3A_566 : i32 to index
            %get3A_599 = arith.index_cast %get3A_597 : i32 to index
            %get3A_600 = arith.constant 0 : index
            %get3A_601 = tpu.vector_load %arg4[%get3A_598, %get3A_599, %get3A_600] {strides = array<i32>} : memref<32x8x128xf32, #tpu.memory_space<vmem>>, vector<16xf32>,
            %lt3A_602 = arith.cmpf olt, %get3A_601, %scan3A_569 : vector<16xf32>
            %min3A_603 = arith.minimumf %scan3A_569, %get3A_601 : vector<16xf32>
            %select_n3A_604 = arith.select %lt3A_602, %add3A_589, %scan3A_570 : vector<16xi1>, vector<16xi32>
            %get3A_605 = arith.constant 2 : i32
            %get3A_606 = arith.index_cast %scan3A_566 : i32 to index
            %get3A_607 = arith.index_cast %get3A_605 : i32 to index
            %get3A_608 = arith.constant 0 : index
            %get3A_609 = tpu.vector_load %arg4[%get3A_606, %get3A_607, %get3A_608] {strides = array<i32>} : memref<32x8x128xf32, #tpu.memory_space<vmem>>, vector<16xf32>,
            %lt3A_610 = arith.cmpf olt, %get3A_609, %scan3A_571 : vector<16xf32>
            %min3A_611 = arith.minimumf %scan3A_571, %get3A_609 : vector<16xf32>
            %select_n3A_612 = arith.select %lt3A_610, %add3A_589, %scan3A_572 : vector<16xi1>, vector<16xi32>
            %get3A_613 = arith.constant 3 : i32
            %get3A_614 = arith.index_cast %scan3A_566 : i32 to index
            %get3A_615 = arith.index_cast %get3A_613 : i32 to index
            %get3A_616 = arith.constant 0 : index
            %get3A_617 = tpu.vector_load %arg4[%get3A_614, %get3A_615, %get3A_616] {strides = array<i32>} : memref<32x8x128xf32, #tpu.memory_space<vmem>>, vector<16xf32>,
            %lt3A_618 = arith.cmpf olt, %get3A_617, %scan3A_573 : vector<16xf32>
            %min3A_619 = arith.minimumf %scan3A_573, %get3A_617 : vector<16xf32>
            %select_n3A_620 = arith.select %lt3A_618, %add3A_589, %scan3A_574 : vector<16xi1>, vector<16xi32>
            %get3A_621 = arith.constant 4 : i32
            %get3A_622 = arith.index_cast %scan3A_566 : i32 to index
            %get3A_623 = arith.index_cast %get3A_621 : i32 to index
            %get3A_624 = arith.constant 0 : index
            %get3A_625 = tpu.vector_load %arg4[%get3A_622, %get3A_623, %get3A_624] {strides = array<i32>} : memref<32x8x128xf32, #tpu.memory_space<vmem>>, vector<16xf32>,
            %lt3A_626 = arith.cmpf olt, %get3A_625, %scan3A_575 : vector<16xf32>
            %min3A_627 = arith.minimumf %scan3A_575, %get3A_625 : vector<16xf32>
            %select_n3A_628 = arith.select %lt3A_626, %add3A_589, %scan3A_576 : vector<16xi1>, vector<16xi32>
            %get3A_629 = arith.constant 5 : i32
            %get3A_630 = arith.index_cast %scan3A_566 : i32 to index
            %get3A_631 = arith.index_cast %get3A_629 : i32 to index
            %get3A_632 = arith.constant 0 : index
            %get3A_633 = tpu.vector_load %arg4[%get3A_630, %get3A_631, %get3A_632] {strides = array<i32>} : memref<32x8x128xf32, #tpu.memory_space<vmem>>, vector<16xf32>,
            %lt3A_634 = arith.cmpf olt, %get3A_633, %scan3A_577 : vector<16xf32>
            %min3A_635 = arith.minimumf %scan3A_577, %get3A_633 : vector<16xf32>
            %select_n3A_636 = arith.select %lt3A_634, %add3A_589, %scan3A_578 : vector<16xi1>, vector<16xi32>
            %get3A_637 = arith.constant 6 : i32
            %get3A_638 = arith.index_cast %scan3A_566 : i32 to index
            %get3A_639 = arith.index_cast %get3A_637 : i32 to index
            %get3A_640 = arith.constant 0 : index
            %get3A_641 = tpu.vector_load %arg4[%get3A_638, %get3A_639, %get3A_640] {strides = array<i32>} : memref<32x8x128xf32, #tpu.memory_space<vmem>>, vector<16xf32>,
            %lt3A_642 = arith.cmpf olt, %get3A_641, %scan3A_579 : vector<16xf32>
            %min3A_643 = arith.minimumf %scan3A_579, %get3A_641 : vector<16xf32>
            %select_n3A_644 = arith.select %lt3A_642, %add3A_589, %scan3A_580 : vector<16xi1>, vector<16xi32>
            %get3A_645 = arith.constant 7 : i32
            %get3A_646 = arith.index_cast %scan3A_566 : i32 to index
            %get3A_647 = arith.index_cast %get3A_645 : i32 to index
            %get3A_648 = arith.constant 0 : index
            %get3A_649 = tpu.vector_load %arg4[%get3A_646, %get3A_647, %get3A_648] {strides = array<i32>} : memref<32x8x128xf32, #tpu.memory_space<vmem>>, vector<16xf32>,
            %lt3A_650 = arith.cmpf olt, %get3A_649, %scan3A_581 : vector<16xf32>
            %min3A_651 = arith.minimumf %scan3A_581, %get3A_649 : vector<16xf32>
            %select_n3A_652 = arith.select %lt3A_650, %add3A_589, %scan3A_582 : vector<16xi1>, vector<16xi32>
            %add3A_653 = arith.constant 16 : i32
            %add3A_654 = arith.addi %mul3A_585, %add3A_653 : i32
            %add3A_655 = vector.broadcast %add3A_654 : i32 to vector<16xi32>
            %add3A_656 = arith.addi %iota3A_418, %add3A_655 : vector<16xi32>
            %get3A_657 = arith.constant 0 : i32
            %get3A_658 = arith.index_cast %scan3A_566 : i32 to index
            %get3A_659 = arith.index_cast %get3A_657 : i32 to index
            %get3A_660 = arith.constant 16 : index
            %get3A_661 = tpu.vector_load %arg4[%get3A_658, %get3A_659, %get3A_660] {strides = array<i32>} : memref<32x8x128xf32, #tpu.memory_space<vmem>>, vector<16xf32>,
            %lt3A_662 = arith.cmpf olt, %get3A_661, %min3A_595 : vector<16xf32>
            %min3A_663 = arith.minimumf %min3A_595, %get3A_661 : vector<16xf32>
            %select_n3A_664 = arith.select %lt3A_662, %add3A_656, %select_n3A_596 : vector<16xi1>, vector<16xi32>
            %get3A_665 = arith.constant 1 : i32
            %get3A_666 = arith.index_cast %scan3A_566 : i32 to index
            %get3A_667 = arith.index_cast %get3A_665 : i32 to index
            %get3A_668 = arith.constant 16 : index
            %get3A_669 = tpu.vector_load %arg4[%get3A_666, %get3A_667, %get3A_668] {strides = array<i32>} : memref<32x8x128xf32, #tpu.memory_space<vmem>>, vector<16xf32>,
            %lt3A_670 = arith.cmpf olt, %get3A_669, %min3A_603 : vector<16xf32>
            %min3A_671 = arith.minimumf %min3A_603, %get3A_669 : vector<16xf32>
            %select_n3A_672 = arith.select %lt3A_670, %add3A_656, %select_n3A_604 : vector<16xi1>, vector<16xi32>
            %get3A_673 = arith.constant 2 : i32
            %get3A_674 = arith.index_cast %scan3A_566 : i32 to index
            %get3A_675 = arith.index_cast %get3A_673 : i32 to index
            %get3A_676 = arith.constant 16 : index
            %get3A_677 = tpu.vector_load %arg4[%get3A_674, %get3A_675, %get3A_676] {strides = array<i32>} : memref<32x8x128xf32, #tpu.memory_space<vmem>>, vector<16xf32>,
            %lt3A_678 = arith.cmpf olt, %get3A_677, %min3A_611 : vector<16xf32>
            %min3A_679 = arith.minimumf %min3A_611, %get3A_677 : vector<16xf32>
            %select_n3A_680 = arith.select %lt3A_678, %add3A_656, %select_n3A_612 : vector<16xi1>, vector<16xi32>
            %get3A_681 = arith.constant 3 : i32
            %get3A_682 = arith.index_cast %scan3A_566 : i32 to index
            %get3A_683 = arith.index_cast %get3A_681 : i32 to index
            %get3A_684 = arith.constant 16 : index
            %get3A_685 = tpu.vector_load %arg4[%get3A_682, %get3A_683, %get3A_684] {strides = array<i32>} : memref<32x8x128xf32, #tpu.memory_space<vmem>>, vector<16xf32>,
            %lt3A_686 = arith.cmpf olt, %get3A_685, %min3A_619 : vector<16xf32>
            %min3A_687 = arith.minimumf %min3A_619, %get3A_685 : vector<16xf32>
            %select_n3A_688 = arith.select %lt3A_686, %add3A_656, %select_n3A_620 : vector<16xi1>, vector<16xi32>
            %get3A_689 = arith.constant 4 : i32
            %get3A_690 = arith.index_cast %scan3A_566 : i32 to index
            %get3A_691 = arith.index_cast %get3A_689 : i32 to index
            %get3A_692 = arith.constant 16 : index
            %get3A_693 = tpu.vector_load %arg4[%get3A_690, %get3A_691, %get3A_692] {strides = array<i32>} : memref<32x8x128xf32, #tpu.memory_space<vmem>>, vector<16xf32>,
            %lt3A_694 = arith.cmpf olt, %get3A_693, %min3A_627 : vector<16xf32>
            %min3A_695 = arith.minimumf %min3A_627, %get3A_693 : vector<16xf32>
            %select_n3A_696 = arith.select %lt3A_694, %add3A_656, %select_n3A_628 : vector<16xi1>, vector<16xi32>
            %get3A_697 = arith.constant 5 : i32
            %get3A_698 = arith.index_cast %scan3A_566 : i32 to index
            %get3A_699 = arith.index_cast %get3A_697 : i32 to index
            %get3A_700 = arith.constant 16 : index
            %get3A_701 = tpu.vector_load %arg4[%get3A_698, %get3A_699, %get3A_700] {strides = array<i32>} : memref<32x8x128xf32, #tpu.memory_space<vmem>>, vector<16xf32>,
            %lt3A_702 = arith.cmpf olt, %get3A_701, %min3A_635 : vector<16xf32>
            %min3A_703 = arith.minimumf %min3A_635, %get3A_701 : vector<16xf32>
            %select_n3A_704 = arith.select %lt3A_702, %add3A_656, %select_n3A_636 : vector<16xi1>, vector<16xi32>
            %get3A_705 = arith.constant 6 : i32
            %get3A_706 = arith.index_cast %scan3A_566 : i32 to index
            %get3A_707 = arith.index_cast %get3A_705 : i32 to index
            %get3A_708 = arith.constant 16 : index
            %get3A_709 = tpu.vector_load %arg4[%get3A_706, %get3A_707, %get3A_708] {strides = array<i32>} : memref<32x8x128xf32, #tpu.memory_space<vmem>>, vector<16xf32>,
            %lt3A_710 = arith.cmpf olt, %get3A_709, %min3A_643 : vector<16xf32>
            %min3A_711 = arith.minimumf %min3A_643, %get3A_709 : vector<16xf32>
            %select_n3A_712 = arith.select %lt3A_710, %add3A_656, %select_n3A_644 : vector<16xi1>, vector<16xi32>
            %get3A_713 = arith.constant 7 : i32
            %get3A_714 = arith.index_cast %scan3A_566 : i32 to index
            %get3A_715 = arith.index_cast %get3A_713 : i32 to index
            %get3A_716 = arith.constant 16 : index
            %get3A_717 = tpu.vector_load %arg4[%get3A_714, %get3A_715, %get3A_716] {strides = array<i32>} : memref<32x8x128xf32, #tpu.memory_space<vmem>>, vector<16xf32>,
            %lt3A_718 = arith.cmpf olt, %get3A_717, %min3A_651 : vector<16xf32>
            %min3A_719 = arith.minimumf %min3A_651, %get3A_717 : vector<16xf32>
            %select_n3A_720 = arith.select %lt3A_718, %add3A_656, %select_n3A_652 : vector<16xi1>, vector<16xi32>
            %add3A_721 = arith.constant 32 : i32
            %add3A_722 = arith.addi %mul3A_585, %add3A_721 : i32
            %add3A_723 = vector.broadcast %add3A_722 : i32 to vector<16xi32>
            %add3A_724 = arith.addi %iota3A_418, %add3A_723 : vector<16xi32>
            %get3A_725 = arith.constant 0 : i32
            %get3A_726 = arith.index_cast %scan3A_566 : i32 to index
            %get3A_727 = arith.index_cast %get3A_725 : i32 to index
            %get3A_728 = arith.constant 32 : index
            %get3A_729 = tpu.vector_load %arg4[%get3A_726, %get3A_727, %get3A_728] {strides = array<i32>} : memref<32x8x128xf32, #tpu.memory_space<vmem>>, vector<16xf32>,
            %lt3A_730 = arith.cmpf olt, %get3A_729, %min3A_663 : vector<16xf32>
            %min3A_731 = arith.minimumf %min3A_663, %get3A_729 : vector<16xf32>
            %select_n3A_732 = arith.select %lt3A_730, %add3A_724, %select_n3A_664 : vector<16xi1>, vector<16xi32>
            %get3A_733 = arith.constant 1 : i32
            %get3A_734 = arith.index_cast %scan3A_566 : i32 to index
            %get3A_735 = arith.index_cast %get3A_733 : i32 to index
            %get3A_736 = arith.constant 32 : index
            %get3A_737 = tpu.vector_load %arg4[%get3A_734, %get3A_735, %get3A_736] {strides = array<i32>} : memref<32x8x128xf32, #tpu.memory_space<vmem>>, vector<16xf32>,
            %lt3A_738 = arith.cmpf olt, %get3A_737, %min3A_671 : vector<16xf32>
            %min3A_739 = arith.minimumf %min3A_671, %get3A_737 : vector<16xf32>
            %select_n3A_740 = arith.select %lt3A_738, %add3A_724, %select_n3A_672 : vector<16xi1>, vector<16xi32>
            %get3A_741 = arith.constant 2 : i32
            %get3A_742 = arith.index_cast %scan3A_566 : i32 to index
            %get3A_743 = arith.index_cast %get3A_741 : i32 to index
            %get3A_744 = arith.constant 32 : index
            %get3A_745 = tpu.vector_load %arg4[%get3A_742, %get3A_743, %get3A_744] {strides = array<i32>} : memref<32x8x128xf32, #tpu.memory_space<vmem>>, vector<16xf32>,
            %lt3A_746 = arith.cmpf olt, %get3A_745, %min3A_679 : vector<16xf32>
            %min3A_747 = arith.minimumf %min3A_679, %get3A_745 : vector<16xf32>
            %select_n3A_748 = arith.select %lt3A_746, %add3A_724, %select_n3A_680 : vector<16xi1>, vector<16xi32>
            %get3A_749 = arith.constant 3 : i32
            %get3A_750 = arith.index_cast %scan3A_566 : i32 to index
            %get3A_751 = arith.index_cast %get3A_749 : i32 to index
            %get3A_752 = arith.constant 32 : index
            %get3A_753 = tpu.vector_load %arg4[%get3A_750, %get3A_751, %get3A_752] {strides = array<i32>} : memref<32x8x128xf32, #tpu.memory_space<vmem>>, vector<16xf32>,
            %lt3A_754 = arith.cmpf olt, %get3A_753, %min3A_687 : vector<16xf32>
            %min3A_755 = arith.minimumf %min3A_687, %get3A_753 : vector<16xf32>
            %select_n3A_756 = arith.select %lt3A_754, %add3A_724, %select_n3A_688 : vector<16xi1>, vector<16xi32>
            %get3A_757 = arith.constant 4 : i32
            %get3A_758 = arith.index_cast %scan3A_566 : i32 to index
            %get3A_759 = arith.index_cast %get3A_757 : i32 to index
            %get3A_760 = arith.constant 32 : index
            %get3A_761 = tpu.vector_load %arg4[%get3A_758, %get3A_759, %get3A_760] {strides = array<i32>} : memref<32x8x128xf32, #tpu.memory_space<vmem>>, vector<16xf32>,
            %lt3A_762 = arith.cmpf olt, %get3A_761, %min3A_695 : vector<16xf32>
            %min3A_763 = arith.minimumf %min3A_695, %get3A_761 : vector<16xf32>
            %select_n3A_764 = arith.select %lt3A_762, %add3A_724, %select_n3A_696 : vector<16xi1>, vector<16xi32>
            %get3A_765 = arith.constant 5 : i32
            %get3A_766 = arith.index_cast %scan3A_566 : i32 to index
            %get3A_767 = arith.index_cast %get3A_765 : i32 to index
            %get3A_768 = arith.constant 32 : index
            %get3A_769 = tpu.vector_load %arg4[%get3A_766, %get3A_767, %get3A_768] {strides = array<i32>} : memref<32x8x128xf32, #tpu.memory_space<vmem>>, vector<16xf32>,
            %lt3A_770 = arith.cmpf olt, %get3A_769, %min3A_703 : vector<16xf32>
            %min3A_771 = arith.minimumf %min3A_703, %get3A_769 : vector<16xf32>
            %select_n3A_772 = arith.select %lt3A_770, %add3A_724, %select_n3A_704 : vector<16xi1>, vector<16xi32>
            %get3A_773 = arith.constant 6 : i32
            %get3A_774 = arith.index_cast %scan3A_566 : i32 to index
            %get3A_775 = arith.index_cast %get3A_773 : i32 to index
            %get3A_776 = arith.constant 32 : index
            %get3A_777 = tpu.vector_load %arg4[%get3A_774, %get3A_775, %get3A_776] {strides = array<i32>} : memref<32x8x128xf32, #tpu.memory_space<vmem>>, vector<16xf32>,
            %lt3A_778 = arith.cmpf olt, %get3A_777, %min3A_711 : vector<16xf32>
            %min3A_779 = arith.minimumf %min3A_711, %get3A_777 : vector<16xf32>
            %select_n3A_780 = arith.select %lt3A_778, %add3A_724, %select_n3A_712 : vector<16xi1>, vector<16xi32>
            %get3A_781 = arith.constant 7 : i32
            %get3A_782 = arith.index_cast %scan3A_566 : i32 to index
            %get3A_783 = arith.index_cast %get3A_781 : i32 to index
            %get3A_784 = arith.constant 32 : index
            %get3A_785 = tpu.vector_load %arg4[%get3A_782, %get3A_783, %get3A_784] {strides = array<i32>} : memref<32x8x128xf32, #tpu.memory_space<vmem>>, vector<16xf32>,
            %lt3A_786 = arith.cmpf olt, %get3A_785, %min3A_719 : vector<16xf32>
            %min3A_787 = arith.minimumf %min3A_719, %get3A_785 : vector<16xf32>
            %select_n3A_788 = arith.select %lt3A_786, %add3A_724, %select_n3A_720 : vector<16xi1>, vector<16xi32>
            %add3A_789 = arith.constant 48 : i32
            %add3A_790 = arith.addi %mul3A_585, %add3A_789 : i32
            %add3A_791 = vector.broadcast %add3A_790 : i32 to vector<16xi32>
            %add3A_792 = arith.addi %iota3A_418, %add3A_791 : vector<16xi32>
            %get3A_793 = arith.constant 0 : i32
            %get3A_794 = arith.index_cast %scan3A_566 : i32 to index
            %get3A_795 = arith.index_cast %get3A_793 : i32 to index
            %get3A_796 = arith.constant 48 : index
            %get3A_797 = tpu.vector_load %arg4[%get3A_794, %get3A_795, %get3A_796] {strides = array<i32>} : memref<32x8x128xf32, #tpu.memory_space<vmem>>, vector<16xf32>,
            %lt3A_798 = arith.cmpf olt, %get3A_797, %min3A_731 : vector<16xf32>
            %min3A_799 = arith.minimumf %min3A_731, %get3A_797 : vector<16xf32>
            %select_n3A_800 = arith.select %lt3A_798, %add3A_792, %select_n3A_732 : vector<16xi1>, vector<16xi32>
            %get3A_801 = arith.constant 1 : i32
            %get3A_802 = arith.index_cast %scan3A_566 : i32 to index
            %get3A_803 = arith.index_cast %get3A_801 : i32 to index
            %get3A_804 = arith.constant 48 : index
            %get3A_805 = tpu.vector_load %arg4[%get3A_802, %get3A_803, %get3A_804] {strides = array<i32>} : memref<32x8x128xf32, #tpu.memory_space<vmem>>, vector<16xf32>,
            %lt3A_806 = arith.cmpf olt, %get3A_805, %min3A_739 : vector<16xf32>
            %min3A_807 = arith.minimumf %min3A_739, %get3A_805 : vector<16xf32>
            %select_n3A_808 = arith.select %lt3A_806, %add3A_792, %select_n3A_740 : vector<16xi1>, vector<16xi32>
            %get3A_809 = arith.constant 2 : i32
            %get3A_810 = arith.index_cast %scan3A_566 : i32 to index
            %get3A_811 = arith.index_cast %get3A_809 : i32 to index
            %get3A_812 = arith.constant 48 : index
            %get3A_813 = tpu.vector_load %arg4[%get3A_810, %get3A_811, %get3A_812] {strides = array<i32>} : memref<32x8x128xf32, #tpu.memory_space<vmem>>, vector<16xf32>,
            %lt3A_814 = arith.cmpf olt, %get3A_813, %min3A_747 : vector<16xf32>
            %min3A_815 = arith.minimumf %min3A_747, %get3A_813 : vector<16xf32>
            %select_n3A_816 = arith.select %lt3A_814, %add3A_792, %select_n3A_748 : vector<16xi1>, vector<16xi32>
            %get3A_817 = arith.constant 3 : i32
            %get3A_818 = arith.index_cast %scan3A_566 : i32 to index
            %get3A_819 = arith.index_cast %get3A_817 : i32 to index
            %get3A_820 = arith.constant 48 : index
            %get3A_821 = tpu.vector_load %arg4[%get3A_818, %get3A_819, %get3A_820] {strides = array<i32>} : memref<32x8x128xf32, #tpu.memory_space<vmem>>, vector<16xf32>,
            %lt3A_822 = arith.cmpf olt, %get3A_821, %min3A_755 : vector<16xf32>
            %min3A_823 = arith.minimumf %min3A_755, %get3A_821 : vector<16xf32>
            %select_n3A_824 = arith.select %lt3A_822, %add3A_792, %select_n3A_756 : vector<16xi1>, vector<16xi32>
            %get3A_825 = arith.constant 4 : i32
            %get3A_826 = arith.index_cast %scan3A_566 : i32 to index
            %get3A_827 = arith.index_cast %get3A_825 : i32 to index
            %get3A_828 = arith.constant 48 : index
            %get3A_829 = tpu.vector_load %arg4[%get3A_826, %get3A_827, %get3A_828] {strides = array<i32>} : memref<32x8x128xf32, #tpu.memory_space<vmem>>, vector<16xf32>,
            %lt3A_830 = arith.cmpf olt, %get3A_829, %min3A_763 : vector<16xf32>
            %min3A_831 = arith.minimumf %min3A_763, %get3A_829 : vector<16xf32>
            %select_n3A_832 = arith.select %lt3A_830, %add3A_792, %select_n3A_764 : vector<16xi1>, vector<16xi32>
            %get3A_833 = arith.constant 5 : i32
            %get3A_834 = arith.index_cast %scan3A_566 : i32 to index
            %get3A_835 = arith.index_cast %get3A_833 : i32 to index
            %get3A_836 = arith.constant 48 : index
            %get3A_837 = tpu.vector_load %arg4[%get3A_834, %get3A_835, %get3A_836] {strides = array<i32>} : memref<32x8x128xf32, #tpu.memory_space<vmem>>, vector<16xf32>,
            %lt3A_838 = arith.cmpf olt, %get3A_837, %min3A_771 : vector<16xf32>
            %min3A_839 = arith.minimumf %min3A_771, %get3A_837 : vector<16xf32>
            %select_n3A_840 = arith.select %lt3A_838, %add3A_792, %select_n3A_772 : vector<16xi1>, vector<16xi32>
            %get3A_841 = arith.constant 6 : i32
            %get3A_842 = arith.index_cast %scan3A_566 : i32 to index
            %get3A_843 = arith.index_cast %get3A_841 : i32 to index
            %get3A_844 = arith.constant 48 : index
            %get3A_845 = tpu.vector_load %arg4[%get3A_842, %get3A_843, %get3A_844] {strides = array<i32>} : memref<32x8x128xf32, #tpu.memory_space<vmem>>, vector<16xf32>,
            %lt3A_846 = arith.cmpf olt, %get3A_845, %min3A_779 : vector<16xf32>
            %min3A_847 = arith.minimumf %min3A_779, %get3A_845 : vector<16xf32>
            %select_n3A_848 = arith.select %lt3A_846, %add3A_792, %select_n3A_780 : vector<16xi1>, vector<16xi32>
            %get3A_849 = arith.constant 7 : i32
            %get3A_850 = arith.index_cast %scan3A_566 : i32 to index
            %get3A_851 = arith.index_cast %get3A_849 : i32 to index
            %get3A_852 = arith.constant 48 : index
            %get3A_853 = tpu.vector_load %arg4[%get3A_850, %get3A_851, %get3A_852] {strides = array<i32>} : memref<32x8x128xf32, #tpu.memory_space<vmem>>, vector<16xf32>,
            %lt3A_854 = arith.cmpf olt, %get3A_853, %min3A_787 : vector<16xf32>
            %min3A_855 = arith.minimumf %min3A_787, %get3A_853 : vector<16xf32>
            %select_n3A_856 = arith.select %lt3A_854, %add3A_792, %select_n3A_788 : vector<16xi1>, vector<16xi32>
            %add3A_857 = arith.constant 64 : i32
            %add3A_858 = arith.addi %mul3A_585, %add3A_857 : i32
            %add3A_859 = vector.broadcast %add3A_858 : i32 to vector<16xi32>
            %add3A_860 = arith.addi %iota3A_418, %add3A_859 : vector<16xi32>
            %get3A_861 = arith.constant 0 : i32
            %get3A_862 = arith.index_cast %scan3A_566 : i32 to index
            %get3A_863 = arith.index_cast %get3A_861 : i32 to index
            %get3A_864 = arith.constant 64 : index
            %get3A_865 = tpu.vector_load %arg4[%get3A_862, %get3A_863, %get3A_864] {strides = array<i32>} : memref<32x8x128xf32, #tpu.memory_space<vmem>>, vector<16xf32>,
            %lt3A_866 = arith.cmpf olt, %get3A_865, %min3A_799 : vector<16xf32>
            %min3A_867 = arith.minimumf %min3A_799, %get3A_865 : vector<16xf32>
            %select_n3A_868 = arith.select %lt3A_866, %add3A_860, %select_n3A_800 : vector<16xi1>, vector<16xi32>
            %get3A_869 = arith.constant 1 : i32
            %get3A_870 = arith.index_cast %scan3A_566 : i32 to index
            %get3A_871 = arith.index_cast %get3A_869 : i32 to index
            %get3A_872 = arith.constant 64 : index
            %get3A_873 = tpu.vector_load %arg4[%get3A_870, %get3A_871, %get3A_872] {strides = array<i32>} : memref<32x8x128xf32, #tpu.memory_space<vmem>>, vector<16xf32>,
            %lt3A_874 = arith.cmpf olt, %get3A_873, %min3A_807 : vector<16xf32>
            %min3A_875 = arith.minimumf %min3A_807, %get3A_873 : vector<16xf32>
            %select_n3A_876 = arith.select %lt3A_874, %add3A_860, %select_n3A_808 : vector<16xi1>, vector<16xi32>
            %get3A_877 = arith.constant 2 : i32
            %get3A_878 = arith.index_cast %scan3A_566 : i32 to index
            %get3A_879 = arith.index_cast %get3A_877 : i32 to index
            %get3A_880 = arith.constant 64 : index
            %get3A_881 = tpu.vector_load %arg4[%get3A_878, %get3A_879, %get3A_880] {strides = array<i32>} : memref<32x8x128xf32, #tpu.memory_space<vmem>>, vector<16xf32>,
            %lt3A_882 = arith.cmpf olt, %get3A_881, %min3A_815 : vector<16xf32>
            %min3A_883 = arith.minimumf %min3A_815, %get3A_881 : vector<16xf32>
            %select_n3A_884 = arith.select %lt3A_882, %add3A_860, %select_n3A_816 : vector<16xi1>, vector<16xi32>
            %get3A_885 = arith.constant 3 : i32
            %get3A_886 = arith.index_cast %scan3A_566 : i32 to index
            %get3A_887 = arith.index_cast %get3A_885 : i32 to index
            %get3A_888 = arith.constant 64 : index
            %get3A_889 = tpu.vector_load %arg4[%get3A_886, %get3A_887, %get3A_888] {strides = array<i32>} : memref<32x8x128xf32, #tpu.memory_space<vmem>>, vector<16xf32>,
            %lt3A_890 = arith.cmpf olt, %get3A_889, %min3A_823 : vector<16xf32>
            %min3A_891 = arith.minimumf %min3A_823, %get3A_889 : vector<16xf32>
            %select_n3A_892 = arith.select %lt3A_890, %add3A_860, %select_n3A_824 : vector<16xi1>, vector<16xi32>
            %get3A_893 = arith.constant 4 : i32
            %get3A_894 = arith.index_cast %scan3A_566 : i32 to index
            %get3A_895 = arith.index_cast %get3A_893 : i32 to index
            %get3A_896 = arith.constant 64 : index
            %get3A_897 = tpu.vector_load %arg4[%get3A_894, %get3A_895, %get3A_896] {strides = array<i32>} : memref<32x8x128xf32, #tpu.memory_space<vmem>>, vector<16xf32>,
            %lt3A_898 = arith.cmpf olt, %get3A_897, %min3A_831 : vector<16xf32>
            %min3A_899 = arith.minimumf %min3A_831, %get3A_897 : vector<16xf32>
            %select_n3A_900 = arith.select %lt3A_898, %add3A_860, %select_n3A_832 : vector<16xi1>, vector<16xi32>
            %get3A_901 = arith.constant 5 : i32
            %get3A_902 = arith.index_cast %scan3A_566 : i32 to index
            %get3A_903 = arith.index_cast %get3A_901 : i32 to index
            %get3A_904 = arith.constant 64 : index
            %get3A_905 = tpu.vector_load %arg4[%get3A_902, %get3A_903, %get3A_904] {strides = array<i32>} : memref<32x8x128xf32, #tpu.memory_space<vmem>>, vector<16xf32>,
            %lt3A_906 = arith.cmpf olt, %get3A_905, %min3A_839 : vector<16xf32>
            %min3A_907 = arith.minimumf %min3A_839, %get3A_905 : vector<16xf32>
            %select_n3A_908 = arith.select %lt3A_906, %add3A_860, %select_n3A_840 : vector<16xi1>, vector<16xi32>
            %get3A_909 = arith.constant 6 : i32
            %get3A_910 = arith.index_cast %scan3A_566 : i32 to index
            %get3A_911 = arith.index_cast %get3A_909 : i32 to index
            %get3A_912 = arith.constant 64 : index
            %get3A_913 = tpu.vector_load %arg4[%get3A_910, %get3A_911, %get3A_912] {strides = array<i32>} : memref<32x8x128xf32, #tpu.memory_space<vmem>>, vector<16xf32>,
            %lt3A_914 = arith.cmpf olt, %get3A_913, %min3A_847 : vector<16xf32>
            %min3A_915 = arith.minimumf %min3A_847, %get3A_913 : vector<16xf32>
            %select_n3A_916 = arith.select %lt3A_914, %add3A_860, %select_n3A_848 : vector<16xi1>, vector<16xi32>
            %get3A_917 = arith.constant 7 : i32
            %get3A_918 = arith.index_cast %scan3A_566 : i32 to index
            %get3A_919 = arith.index_cast %get3A_917 : i32 to index
            %get3A_920 = arith.constant 64 : index
            %get3A_921 = tpu.vector_load %arg4[%get3A_918, %get3A_919, %get3A_920] {strides = array<i32>} : memref<32x8x128xf32, #tpu.memory_space<vmem>>, vector<16xf32>,
            %lt3A_922 = arith.cmpf olt, %get3A_921, %min3A_855 : vector<16xf32>
            %min3A_923 = arith.minimumf %min3A_855, %get3A_921 : vector<16xf32>
            %select_n3A_924 = arith.select %lt3A_922, %add3A_860, %select_n3A_856 : vector<16xi1>, vector<16xi32>
            %add3A_925 = arith.constant 80 : i32
            %add3A_926 = arith.addi %mul3A_585, %add3A_925 : i32
            %add3A_927 = vector.broadcast %add3A_926 : i32 to vector<16xi32>
            %add3A_928 = arith.addi %iota3A_418, %add3A_927 : vector<16xi32>
            %get3A_929 = arith.constant 0 : i32
            %get3A_930 = arith.index_cast %scan3A_566 : i32 to index
            %get3A_931 = arith.index_cast %get3A_929 : i32 to index
            %get3A_932 = arith.constant 80 : index
            %get3A_933 = tpu.vector_load %arg4[%get3A_930, %get3A_931, %get3A_932] {strides = array<i32>} : memref<32x8x128xf32, #tpu.memory_space<vmem>>, vector<16xf32>,
            %lt3A_934 = arith.cmpf olt, %get3A_933, %min3A_867 : vector<16xf32>
            %min3A_935 = arith.minimumf %min3A_867, %get3A_933 : vector<16xf32>
            %select_n3A_936 = arith.select %lt3A_934, %add3A_928, %select_n3A_868 : vector<16xi1>, vector<16xi32>
            %get3A_937 = arith.constant 1 : i32
            %get3A_938 = arith.index_cast %scan3A_566 : i32 to index
            %get3A_939 = arith.index_cast %get3A_937 : i32 to index
            %get3A_940 = arith.constant 80 : index
            %get3A_941 = tpu.vector_load %arg4[%get3A_938, %get3A_939, %get3A_940] {strides = array<i32>} : memref<32x8x128xf32, #tpu.memory_space<vmem>>, vector<16xf32>,
            %lt3A_942 = arith.cmpf olt, %get3A_941, %min3A_875 : vector<16xf32>
            %min3A_943 = arith.minimumf %min3A_875, %get3A_941 : vector<16xf32>
            %select_n3A_944 = arith.select %lt3A_942, %add3A_928, %select_n3A_876 : vector<16xi1>, vector<16xi32>
            %get3A_945 = arith.constant 2 : i32
            %get3A_946 = arith.index_cast %scan3A_566 : i32 to index
            %get3A_947 = arith.index_cast %get3A_945 : i32 to index
            %get3A_948 = arith.constant 80 : index
            %get3A_949 = tpu.vector_load %arg4[%get3A_946, %get3A_947, %get3A_948] {strides = array<i32>} : memref<32x8x128xf32, #tpu.memory_space<vmem>>, vector<16xf32>,
            %lt3A_950 = arith.cmpf olt, %get3A_949, %min3A_883 : vector<16xf32>
            %min3A_951 = arith.minimumf %min3A_883, %get3A_949 : vector<16xf32>
            %select_n3A_952 = arith.select %lt3A_950, %add3A_928, %select_n3A_884 : vector<16xi1>, vector<16xi32>
            %get3A_953 = arith.constant 3 : i32
            %get3A_954 = arith.index_cast %scan3A_566 : i32 to index
            %get3A_955 = arith.index_cast %get3A_953 : i32 to index
            %get3A_956 = arith.constant 80 : index
            %get3A_957 = tpu.vector_load %arg4[%get3A_954, %get3A_955, %get3A_956] {strides = array<i32>} : memref<32x8x128xf32, #tpu.memory_space<vmem>>, vector<16xf32>,
            %lt3A_958 = arith.cmpf olt, %get3A_957, %min3A_891 : vector<16xf32>
            %min3A_959 = arith.minimumf %min3A_891, %get3A_957 : vector<16xf32>
            %select_n3A_960 = arith.select %lt3A_958, %add3A_928, %select_n3A_892 : vector<16xi1>, vector<16xi32>
            %get3A_961 = arith.constant 4 : i32
            %get3A_962 = arith.index_cast %scan3A_566 : i32 to index
            %get3A_963 = arith.index_cast %get3A_961 : i32 to index
            %get3A_964 = arith.constant 80 : index
            %get3A_965 = tpu.vector_load %arg4[%get3A_962, %get3A_963, %get3A_964] {strides = array<i32>} : memref<32x8x128xf32, #tpu.memory_space<vmem>>, vector<16xf32>,
            %lt3A_966 = arith.cmpf olt, %get3A_965, %min3A_899 : vector<16xf32>
            %min3A_967 = arith.minimumf %min3A_899, %get3A_965 : vector<16xf32>
            %select_n3A_968 = arith.select %lt3A_966, %add3A_928, %select_n3A_900 : vector<16xi1>, vector<16xi32>
            %get3A_969 = arith.constant 5 : i32
            %get3A_970 = arith.index_cast %scan3A_566 : i32 to index
            %get3A_971 = arith.index_cast %get3A_969 : i32 to index
            %get3A_972 = arith.constant 80 : index
            %get3A_973 = tpu.vector_load %arg4[%get3A_970, %get3A_971, %get3A_972] {strides = array<i32>} : memref<32x8x128xf32, #tpu.memory_space<vmem>>, vector<16xf32>,
            %lt3A_974 = arith.cmpf olt, %get3A_973, %min3A_907 : vector<16xf32>
            %min3A_975 = arith.minimumf %min3A_907, %get3A_973 : vector<16xf32>
            %select_n3A_976 = arith.select %lt3A_974, %add3A_928, %select_n3A_908 : vector<16xi1>, vector<16xi32>
            %get3A_977 = arith.constant 6 : i32
            %get3A_978 = arith.index_cast %scan3A_566 : i32 to index
            %get3A_979 = arith.index_cast %get3A_977 : i32 to index
            %get3A_980 = arith.constant 80 : index
            %get3A_981 = tpu.vector_load %arg4[%get3A_978, %get3A_979, %get3A_980] {strides = array<i32>} : memref<32x8x128xf32, #tpu.memory_space<vmem>>, vector<16xf32>,
            %lt3A_982 = arith.cmpf olt, %get3A_981, %min3A_915 : vector<16xf32>
            %min3A_983 = arith.minimumf %min3A_915, %get3A_981 : vector<16xf32>
            %select_n3A_984 = arith.select %lt3A_982, %add3A_928, %select_n3A_916 : vector<16xi1>, vector<16xi32>
            %get3A_985 = arith.constant 7 : i32
            %get3A_986 = arith.index_cast %scan3A_566 : i32 to index
            %get3A_987 = arith.index_cast %get3A_985 : i32 to index
            %get3A_988 = arith.constant 80 : index
            %get3A_989 = tpu.vector_load %arg4[%get3A_986, %get3A_987, %get3A_988] {strides = array<i32>} : memref<32x8x128xf32, #tpu.memory_space<vmem>>, vector<16xf32>,
            %lt3A_990 = arith.cmpf olt, %get3A_989, %min3A_923 : vector<16xf32>
            %min3A_991 = arith.minimumf %min3A_923, %get3A_989 : vector<16xf32>
            %select_n3A_992 = arith.select %lt3A_990, %add3A_928, %select_n3A_924 : vector<16xi1>, vector<16xi32>
            %add3A_993 = arith.constant 96 : i32
            %add3A_994 = arith.addi %mul3A_585, %add3A_993 : i32
            %add3A_995 = vector.broadcast %add3A_994 : i32 to vector<16xi32>
            %add3A_996 = arith.addi %iota3A_418, %add3A_995 : vector<16xi32>
            %get3A_997 = arith.constant 0 : i32
            %get3A_998 = arith.index_cast %scan3A_566 : i32 to index
            %get3A_999 = arith.index_cast %get3A_997 : i32 to index
            %get3A_1000 = arith.constant 96 : index
            %get3A_1001 = tpu.vector_load %arg4[%get3A_998, %get3A_999, %get3A_1000] {strides = array<i32>} : memref<32x8x128xf32, #tpu.memory_space<vmem>>, vector<16xf32>,
            %lt3A_1002 = arith.cmpf olt, %get3A_1001, %min3A_935 : vector<16xf32>
            %min3A_1003 = arith.minimumf %min3A_935, %get3A_1001 : vector<16xf32>
            %select_n3A_1004 = arith.select %lt3A_1002, %add3A_996, %select_n3A_936 : vector<16xi1>, vector<16xi32>
            %get3A_1005 = arith.constant 1 : i32
            %get3A_1006 = arith.index_cast %scan3A_566 : i32 to index
            %get3A_1007 = arith.index_cast %get3A_1005 : i32 to index
            %get3A_1008 = arith.constant 96 : index
            %get3A_1009 = tpu.vector_load %arg4[%get3A_1006, %get3A_1007, %get3A_1008] {strides = array<i32>} : memref<32x8x128xf32, #tpu.memory_space<vmem>>, vector<16xf32>,
            %lt3A_1010 = arith.cmpf olt, %get3A_1009, %min3A_943 : vector<16xf32>
            %min3A_1011 = arith.minimumf %min3A_943, %get3A_1009 : vector<16xf32>
            %select_n3A_1012 = arith.select %lt3A_1010, %add3A_996, %select_n3A_944 : vector<16xi1>, vector<16xi32>
            %get3A_1013 = arith.constant 2 : i32
            %get3A_1014 = arith.index_cast %scan3A_566 : i32 to index
            %get3A_1015 = arith.index_cast %get3A_1013 : i32 to index
            %get3A_1016 = arith.constant 96 : index
            %get3A_1017 = tpu.vector_load %arg4[%get3A_1014, %get3A_1015, %get3A_1016] {strides = array<i32>} : memref<32x8x128xf32, #tpu.memory_space<vmem>>, vector<16xf32>,
            %lt3A_1018 = arith.cmpf olt, %get3A_1017, %min3A_951 : vector<16xf32>
            %min3A_1019 = arith.minimumf %min3A_951, %get3A_1017 : vector<16xf32>
            %select_n3A_1020 = arith.select %lt3A_1018, %add3A_996, %select_n3A_952 : vector<16xi1>, vector<16xi32>
            %get3A_1021 = arith.constant 3 : i32
            %get3A_1022 = arith.index_cast %scan3A_566 : i32 to index
            %get3A_1023 = arith.index_cast %get3A_1021 : i32 to index
            %get3A_1024 = arith.constant 96 : index
            %get3A_1025 = tpu.vector_load %arg4[%get3A_1022, %get3A_1023, %get3A_1024] {strides = array<i32>} : memref<32x8x128xf32, #tpu.memory_space<vmem>>, vector<16xf32>,
            %lt3A_1026 = arith.cmpf olt, %get3A_1025, %min3A_959 : vector<16xf32>
            %min3A_1027 = arith.minimumf %min3A_959, %get3A_1025 : vector<16xf32>
            %select_n3A_1028 = arith.select %lt3A_1026, %add3A_996, %select_n3A_960 : vector<16xi1>, vector<16xi32>
            %get3A_1029 = arith.constant 4 : i32
            %get3A_1030 = arith.index_cast %scan3A_566 : i32 to index
            %get3A_1031 = arith.index_cast %get3A_1029 : i32 to index
            %get3A_1032 = arith.constant 96 : index
            %get3A_1033 = tpu.vector_load %arg4[%get3A_1030, %get3A_1031, %get3A_1032] {strides = array<i32>} : memref<32x8x128xf32, #tpu.memory_space<vmem>>, vector<16xf32>,
            %lt3A_1034 = arith.cmpf olt, %get3A_1033, %min3A_967 : vector<16xf32>
            %min3A_1035 = arith.minimumf %min3A_967, %get3A_1033 : vector<16xf32>
            %select_n3A_1036 = arith.select %lt3A_1034, %add3A_996, %select_n3A_968 : vector<16xi1>, vector<16xi32>
            %get3A_1037 = arith.constant 5 : i32
            %get3A_1038 = arith.index_cast %scan3A_566 : i32 to index
            %get3A_1039 = arith.index_cast %get3A_1037 : i32 to index
            %get3A_1040 = arith.constant 96 : index
            %get3A_1041 = tpu.vector_load %arg4[%get3A_1038, %get3A_1039, %get3A_1040] {strides = array<i32>} : memref<32x8x128xf32, #tpu.memory_space<vmem>>, vector<16xf32>,
            %lt3A_1042 = arith.cmpf olt, %get3A_1041, %min3A_975 : vector<16xf32>
            %min3A_1043 = arith.minimumf %min3A_975, %get3A_1041 : vector<16xf32>
            %select_n3A_1044 = arith.select %lt3A_1042, %add3A_996, %select_n3A_976 : vector<16xi1>, vector<16xi32>
            %get3A_1045 = arith.constant 6 : i32
            %get3A_1046 = arith.index_cast %scan3A_566 : i32 to index
            %get3A_1047 = arith.index_cast %get3A_1045 : i32 to index
            %get3A_1048 = arith.constant 96 : index
            %get3A_1049 = tpu.vector_load %arg4[%get3A_1046, %get3A_1047, %get3A_1048] {strides = array<i32>} : memref<32x8x128xf32, #tpu.memory_space<vmem>>, vector<16xf32>,
            %lt3A_1050 = arith.cmpf olt, %get3A_1049, %min3A_983 : vector<16xf32>
            %min3A_1051 = arith.minimumf %min3A_983, %get3A_1049 : vector<16xf32>
            %select_n3A_1052 = arith.select %lt3A_1050, %add3A_996, %select_n3A_984 : vector<16xi1>, vector<16xi32>
            %get3A_1053 = arith.constant 7 : i32
            %get3A_1054 = arith.index_cast %scan3A_566 : i32 to index
            %get3A_1055 = arith.index_cast %get3A_1053 : i32 to index
            %get3A_1056 = arith.constant 96 : index
            %get3A_1057 = tpu.vector_load %arg4[%get3A_1054, %get3A_1055, %get3A_1056] {strides = array<i32>} : memref<32x8x128xf32, #tpu.memory_space<vmem>>, vector<16xf32>,
            %lt3A_1058 = arith.cmpf olt, %get3A_1057, %min3A_991 : vector<16xf32>
            %min3A_1059 = arith.minimumf %min3A_991, %get3A_1057 : vector<16xf32>
            %select_n3A_1060 = arith.select %lt3A_1058, %add3A_996, %select_n3A_992 : vector<16xi1>, vector<16xi32>
            %add3A_1061 = arith.constant 112 : i32
            %add3A_1062 = arith.addi %mul3A_585, %add3A_1061 : i32
            %add3A_1063 = vector.broadcast %add3A_1062 : i32 to vector<16xi32>
            %add3A_1064 = arith.addi %iota3A_418, %add3A_1063 : vector<16xi32>
            %get3A_1065 = arith.constant 0 : i32
            %get3A_1066 = arith.index_cast %scan3A_566 : i32 to index
            %get3A_1067 = arith.index_cast %get3A_1065 : i32 to index
            %get3A_1068 = arith.constant 112 : index
            %get3A_1069 = tpu.vector_load %arg4[%get3A_1066, %get3A_1067, %get3A_1068] {strides = array<i32>} : memref<32x8x128xf32, #tpu.memory_space<vmem>>, vector<16xf32>,
            %lt3A_1070 = arith.cmpf olt, %get3A_1069, %min3A_1003 : vector<16xf32>
            %min3A_1071 = arith.minimumf %min3A_1003, %get3A_1069 : vector<16xf32>
            %select_n3A_1072 = arith.select %lt3A_1070, %add3A_1064, %select_n3A_1004 : vector<16xi1>, vector<16xi32>
            %get3A_1073 = arith.constant 1 : i32
            %get3A_1074 = arith.index_cast %scan3A_566 : i32 to index
            %get3A_1075 = arith.index_cast %get3A_1073 : i32 to index
            %get3A_1076 = arith.constant 112 : index
            %get3A_1077 = tpu.vector_load %arg4[%get3A_1074, %get3A_1075, %get3A_1076] {strides = array<i32>} : memref<32x8x128xf32, #tpu.memory_space<vmem>>, vector<16xf32>,
            %lt3A_1078 = arith.cmpf olt, %get3A_1077, %min3A_1011 : vector<16xf32>
            %min3A_1079 = arith.minimumf %min3A_1011, %get3A_1077 : vector<16xf32>
            %select_n3A_1080 = arith.select %lt3A_1078, %add3A_1064, %select_n3A_1012 : vector<16xi1>, vector<16xi32>
            %get3A_1081 = arith.constant 2 : i32
            %get3A_1082 = arith.index_cast %scan3A_566 : i32 to index
            %get3A_1083 = arith.index_cast %get3A_1081 : i32 to index
            %get3A_1084 = arith.constant 112 : index
            %get3A_1085 = tpu.vector_load %arg4[%get3A_1082, %get3A_1083, %get3A_1084] {strides = array<i32>} : memref<32x8x128xf32, #tpu.memory_space<vmem>>, vector<16xf32>,
            %lt3A_1086 = arith.cmpf olt, %get3A_1085, %min3A_1019 : vector<16xf32>
            %min3A_1087 = arith.minimumf %min3A_1019, %get3A_1085 : vector<16xf32>
            %select_n3A_1088 = arith.select %lt3A_1086, %add3A_1064, %select_n3A_1020 : vector<16xi1>, vector<16xi32>
            %get3A_1089 = arith.constant 3 : i32
            %get3A_1090 = arith.index_cast %scan3A_566 : i32 to index
            %get3A_1091 = arith.index_cast %get3A_1089 : i32 to index
            %get3A_1092 = arith.constant 112 : index
            %get3A_1093 = tpu.vector_load %arg4[%get3A_1090, %get3A_1091, %get3A_1092] {strides = array<i32>} : memref<32x8x128xf32, #tpu.memory_space<vmem>>, vector<16xf32>,
            %lt3A_1094 = arith.cmpf olt, %get3A_1093, %min3A_1027 : vector<16xf32>
            %min3A_1095 = arith.minimumf %min3A_1027, %get3A_1093 : vector<16xf32>
            %select_n3A_1096 = arith.select %lt3A_1094, %add3A_1064, %select_n3A_1028 : vector<16xi1>, vector<16xi32>
            %get3A_1097 = arith.constant 4 : i32
            %get3A_1098 = arith.index_cast %scan3A_566 : i32 to index
            %get3A_1099 = arith.index_cast %get3A_1097 : i32 to index
            %get3A_1100 = arith.constant 112 : index
            %get3A_1101 = tpu.vector_load %arg4[%get3A_1098, %get3A_1099, %get3A_1100] {strides = array<i32>} : memref<32x8x128xf32, #tpu.memory_space<vmem>>, vector<16xf32>,
            %lt3A_1102 = arith.cmpf olt, %get3A_1101, %min3A_1035 : vector<16xf32>
            %min3A_1103 = arith.minimumf %min3A_1035, %get3A_1101 : vector<16xf32>
            %select_n3A_1104 = arith.select %lt3A_1102, %add3A_1064, %select_n3A_1036 : vector<16xi1>, vector<16xi32>
            %get3A_1105 = arith.constant 5 : i32
            %get3A_1106 = arith.index_cast %scan3A_566 : i32 to index
            %get3A_1107 = arith.index_cast %get3A_1105 : i32 to index
            %get3A_1108 = arith.constant 112 : index
            %get3A_1109 = tpu.vector_load %arg4[%get3A_1106, %get3A_1107, %get3A_1108] {strides = array<i32>} : memref<32x8x128xf32, #tpu.memory_space<vmem>>, vector<16xf32>,
            %lt3A_1110 = arith.cmpf olt, %get3A_1109, %min3A_1043 : vector<16xf32>
            %min3A_1111 = arith.minimumf %min3A_1043, %get3A_1109 : vector<16xf32>
            %select_n3A_1112 = arith.select %lt3A_1110, %add3A_1064, %select_n3A_1044 : vector<16xi1>, vector<16xi32>
            %get3A_1113 = arith.constant 6 : i32
            %get3A_1114 = arith.index_cast %scan3A_566 : i32 to index
            %get3A_1115 = arith.index_cast %get3A_1113 : i32 to index
            %get3A_1116 = arith.constant 112 : index
            %get3A_1117 = tpu.vector_load %arg4[%get3A_1114, %get3A_1115, %get3A_1116] {strides = array<i32>} : memref<32x8x128xf32, #tpu.memory_space<vmem>>, vector<16xf32>,
            %lt3A_1118 = arith.cmpf olt, %get3A_1117, %min3A_1051 : vector<16xf32>
            %min3A_1119 = arith.minimumf %min3A_1051, %get3A_1117 : vector<16xf32>
            %select_n3A_1120 = arith.select %lt3A_1118, %add3A_1064, %select_n3A_1052 : vector<16xi1>, vector<16xi32>
            %get3A_1121 = arith.constant 7 : i32
            %get3A_1122 = arith.index_cast %scan3A_566 : i32 to index
            %get3A_1123 = arith.index_cast %get3A_1121 : i32 to index
            %get3A_1124 = arith.constant 112 : index
            %get3A_1125 = tpu.vector_load %arg4[%get3A_1122, %get3A_1123, %get3A_1124] {strides = array<i32>} : memref<32x8x128xf32, #tpu.memory_space<vmem>>, vector<16xf32>,
            %lt3A_1126 = arith.cmpf olt, %get3A_1125, %min3A_1059 : vector<16xf32>
            %min3A_1127 = arith.minimumf %min3A_1059, %get3A_1125 : vector<16xf32>
            %select_n3A_1128 = arith.select %lt3A_1126, %add3A_1064, %select_n3A_1060 : vector<16xi1>, vector<16xi32>
            scf.yield %min3A_1071, %select_n3A_1072, %min3A_1079, %select_n3A_1080, %min3A_1087, %select_n3A_1088, %min3A_1095, %select_n3A_1096, %min3A_1103, %select_n3A_1104, %min3A_1111, %select_n3A_1112, %min3A_1119, %select_n3A_1120, %min3A_1127, %select_n3A_1128 : vector<16xf32>, vector<16xi32>, vector<16xf32>, vector<16xi32>, vector<16xf32>, vector<16xi32>, vector<16xf32>, vector<16xi32>, vector<16xf32>, vector<16xi32>, vector<16xf32>, vector<16xi32>, vector<16xf32>, vector<16xi32>, vector<16xf32>, vector<16xi32>
          }
          %scan3A_424 = arith.constant 32 : i32
          %add3A_425 = arith.constant 2 : i32
          %add3A_426 = arith.addi %add3A_400, %add3A_425 : i32
          %min3A_427 = arith.constant 15 : i32
          %min3A_428 = arith.minsi %add3A_426, %min3A_427 : i32
          %jit3A_429 = arith.constant 8 : i32
          %div3A_430 = arith.divsi %min3A_428, %jit3A_429 : i32
          %sign3A_431 = arith.constant 0 : i32
          %sign3A_432 = arith.cmpi sgt, %min3A_428, %sign3A_431 : i32
          %sign3A_433 = arith.extui %sign3A_432 : i1 to i32
          %sign3A_434 = arith.constant 0 : i32
          %sign3A_435 = arith.cmpi slt, %min3A_428, %sign3A_434 : i32
          %sign3A_436 = arith.extui %sign3A_435 : i1 to i32
          %sign3A_437 = arith.subi %sign3A_433, %sign3A_436 : i32
          %sign3A_438 = arith.constant 0 : i32
          %sign3A_439 = arith.cmpi sgt, %jit3A_429, %sign3A_438 : i32
          %sign3A_440 = arith.extui %sign3A_439 : i1 to i32
          %sign3A_441 = arith.constant 0 : i32
          %sign3A_442 = arith.cmpi slt, %jit3A_429, %sign3A_441 : i32
          %sign3A_443 = arith.extui %sign3A_442 : i1 to i32
          %sign3A_444 = arith.subi %sign3A_440, %sign3A_443 : i32
          %ne3A_445 = arith.cmpi ne, %sign3A_437, %sign3A_444 : i32
          %rem3A_446 = arith.remsi %min3A_428, %jit3A_429 : i32
          %ne3A_447 = arith.constant 0 : i32
          %ne3A_448 = arith.cmpi ne, %rem3A_446, %ne3A_447 : i32
          %and3A_449 = arith.andi %ne3A_445, %ne3A_448 : i1
          %sub3A_450 = arith.constant 1 : i32
          %sub3A_451 = arith.subi %div3A_430, %sub3A_450 : i32
          %select_n3A_452 = arith.select %and3A_449, %sub3A_451, %div3A_430 : i32
          %add3A_453 = arith.addi %mul3A_4, %select_n3A_452 : i32
          %jit3A_454 = arith.constant 8 : i32
          %eq3A_455 = arith.constant 0 : i32
          %eq3A_456 = arith.cmpi eq, %jit3A_454, %eq3A_455 : i32
          %jit3A_457 = arith.constant 1 : i32
          %select_n3A_458 = arith.select %eq3A_456, %jit3A_457, %jit3A_454 : i32
          %rem3A_459 = arith.remsi %min3A_428, %select_n3A_458 : i32
          %ne3A_460 = arith.constant 0 : i32
          %ne3A_461 = arith.cmpi ne, %rem3A_459, %ne3A_460 : i32
          %lt3A_462 = arith.constant 0 : i32
          %lt3A_463 = arith.cmpi slt, %rem3A_459, %lt3A_462 : i32
          %lt3A_464 = arith.constant 0 : i32
          %lt3A_465 = arith.cmpi slt, %select_n3A_458, %lt3A_464 : i32
          %ne3A_466 = arith.xori %lt3A_463, %lt3A_465 : i1
          %and3A_467 = arith.andi %ne3A_466, %ne3A_461 : i1
          %add3A_468 = arith.addi %rem3A_459, %select_n3A_458 : i32
          %select_n3A_469 = arith.select %and3A_467, %add3A_468, %rem3A_459 : i32
          %mul3A_470 = arith.constant 32 : i32
          %mul3A_471 = arith.muli %select_n3A_469, %mul3A_470 : i32
          %dma_start3A_472 = arith.constant 0 : i32
          %dma_start3A_473 = arith.constant 0 : i32
          %dma_start3A_474 = tpu.memref_slice %arg2[%add3A_453, %mul3A_471, %dma_start3A_472, %dma_start3A_473] : memref<128x256x8x128xf32, #tpu.memory_space<hbm>> -> memref<1x32x8x128xf32, #tpu.memory_space<hbm>>
          %dma_start3A_475 = tpu.memref_squeeze %dma_start3A_474 : memref<1x32x8x128xf32, #tpu.memory_space<hbm>> -> memref<32x8x128xf32, #tpu.memory_space<hbm>>
          %dma_start3A_476 = arith.constant 0 : i32
          %dma_start3A_477 = arith.constant 0 : i32
          %dma_start3A_478 = tpu.memref_slice %arg2[%add3A_453, %mul3A_471, %dma_start3A_476, %dma_start3A_477] : memref<128x256x8x128xf32, #tpu.memory_space<hbm>> -> memref<1x32x8x128xf32, #tpu.memory_space<hbm>>
          %dma_start3A_479 = tpu.memref_squeeze %dma_start3A_478 : memref<1x32x8x128xf32, #tpu.memory_space<hbm>> -> memref<32x8x128xf32, #tpu.memory_space<hbm>>
          tpu.enqueue_dma source(%dma_start3A_479 : memref<32x8x128xf32, #tpu.memory_space<hbm>>) target(%arg4 : memref<32x8x128xf32, #tpu.memory_space<vmem>>) target_semaphore(%arg7 : memref<!tpu.dma_semaphore, #tpu.memory_space<semaphore_mem>>)
          %mul3A_480 = arith.constant 8 : i32
          %mul3A_481 = arith.muli %scan3A_131, %mul3A_480 : i32
          %mul3A_482 = arith.constant 2 : i32
          %mul3A_483 = arith.muli %mul3A_482, %scan3A_377 : i32
          %add3A_484 = arith.addi %mul3A_481, %mul3A_483 : i32
          %add3A_485 = arith.constant 1 : i32
          %add3A_486 = arith.addi %add3A_484, %add3A_485 : i32
          %dma_wait3A_487 = arith.constant 0 : i32
          %dma_wait3A_488 = arith.constant 0 : i32
          %dma_wait3A_489 = arith.constant 0 : i32
          %dma_wait3A_490 = arith.constant 0 : i32
          %dma_wait3A_491 = tpu.memref_slice %arg2[%dma_wait3A_487, %dma_wait3A_488, %dma_wait3A_489, %dma_wait3A_490] : memref<128x256x8x128xf32, #tpu.memory_space<hbm>> -> memref<1x32x8x128xf32, #tpu.memory_space<hbm>>
          %dma_wait3A_492 = tpu.memref_squeeze %dma_wait3A_491 : memref<1x32x8x128xf32, #tpu.memory_space<hbm>> -> memref<32x8x128xf32, #tpu.memory_space<hbm>>
          %dma_wait3A_493 = arith.constant 0 : i32
          %dma_wait3A_494 = arith.constant 0 : i32
          %dma_wait3A_495 = arith.constant 0 : i32
          %dma_wait3A_496 = tpu.memref_slice %arg2[%dma_wait3A_487, %dma_wait3A_493, %dma_wait3A_494, %dma_wait3A_495] : memref<128x256x8x128xf32, #tpu.memory_space<hbm>> -> memref<1x32x8x128xf32, #tpu.memory_space<hbm>>
          %dma_wait3A_497 = tpu.memref_squeeze %dma_wait3A_496 : memref<1x32x8x128xf32, #tpu.memory_space<hbm>> -> memref<32x8x128xf32, #tpu.memory_space<hbm>>
          tpu.wait_dma2 semaphore(%arg8 : memref<!tpu.dma_semaphore, #tpu.memory_space<semaphore_mem>>) src(%dma_wait3A_497 : memref<32x8x128xf32, #tpu.memory_space<hbm>>) dst(%arg5 : memref<32x8x128xf32, #tpu.memory_space<vmem>>)
          %mul3A_498 = arith.constant 2 : i32
          %mul3A_499 = arith.muli %mul3A_498, %scan3A_377 : i32
          %add3A_500 = arith.constant 1 : i32
          %add3A_501 = arith.addi %mul3A_499, %add3A_500 : i32
          %mul3A_502 = arith.constant 32 : i32
          %mul3A_503 = arith.muli %add3A_501, %mul3A_502 : i32
          %iota3A_504 = tpu.iota {dimensions = array<i32: 0>} : vector<16xi32>
          %scan3A_505 = arith.constant 0 : i32
          %scan3A_506 = arith.constant 32 : i32
          %scan3A_507 = arith.addi %scan3A_505, %scan3A_506 : i32
          %scan3A_508 = arith.constant 1 : i32
          %scan3A_509:16 = scf.for %scan3A_566 = %scan3A_505 to %scan3A_507 step %scan3A_508 iter_args(%scan3A_567 = %scan3A_423#0, %scan3A_568 = %scan3A_423#1, %scan3A_569 = %scan3A_423#2, %scan3A_570 = %scan3A_423#3, %scan3A_571 = %scan3A_423#4, %scan3A_572 = %scan3A_423#5, %scan3A_573 = %scan3A_423#6, %scan3A_574 = %scan3A_423#7, %scan3A_575 = %scan3A_423#8, %scan3A_576 = %scan3A_423#9, %scan3A_577 = %scan3A_423#10, %scan3A_578 = %scan3A_423#11, %scan3A_579 = %scan3A_423#12, %scan3A_580 = %scan3A_423#13, %scan3A_581 = %scan3A_423#14, %scan3A_582 = %scan3A_423#15) -> (vector<16xf32>, vector<16xi32>, vector<16xf32>, vector<16xi32>, vector<16xf32>, vector<16xi32>, vector<16xf32>, vector<16xi32>, vector<16xf32>, vector<16xi32>, vector<16xf32>, vector<16xi32>, vector<16xf32>, vector<16xi32>, vector<16xf32>, vector<16xi32>)  : i32 {
            %add3A_583 = arith.addi %mul3A_503, %scan3A_566 : i32
            %mul3A_584 = arith.constant 128 : i32
            %mul3A_585 = arith.muli %add3A_583, %mul3A_584 : i32
            %add3A_586 = arith.constant 0 : i32
            %add3A_587 = arith.addi %mul3A_585, %add3A_586 : i32
            %add3A_588 = vector.broadcast %add3A_587 : i32 to vector<16xi32>
            %add3A_589 = arith.addi %iota3A_504, %add3A_588 : vector<16xi32>
            %get3A = arith.constant 0 : i32
            %get3A_590 = arith.index_cast %scan3A_566 : i32 to index
            %get3A_591 = arith.index_cast %get3A : i32 to index
            %get3A_592 = arith.constant 0 : index
            %get3A_593 = tpu.vector_load %arg5[%get3A_590, %get3A_591, %get3A_592] {strides = array<i32>} : memref<32x8x128xf32, #tpu.memory_space<vmem>>, vector<16xf32>,
            %lt3A_594 = arith.cmpf olt, %get3A_593, %scan3A_567 : vector<16xf32>
            %min3A_595 = arith.minimumf %scan3A_567, %get3A_593 : vector<16xf32>
            %select_n3A_596 = arith.select %lt3A_594, %add3A_589, %scan3A_568 : vector<16xi1>, vector<16xi32>
            %get3A_597 = arith.constant 1 : i32
            %get3A_598 = arith.index_cast %scan3A_566 : i32 to index
            %get3A_599 = arith.index_cast %get3A_597 : i32 to index
            %get3A_600 = arith.constant 0 : index
            %get3A_601 = tpu.vector_load %arg5[%get3A_598, %get3A_599, %get3A_600] {strides = array<i32>} : memref<32x8x128xf32, #tpu.memory_space<vmem>>, vector<16xf32>,
            %lt3A_602 = arith.cmpf olt, %get3A_601, %scan3A_569 : vector<16xf32>
            %min3A_603 = arith.minimumf %scan3A_569, %get3A_601 : vector<16xf32>
            %select_n3A_604 = arith.select %lt3A_602, %add3A_589, %scan3A_570 : vector<16xi1>, vector<16xi32>
            %get3A_605 = arith.constant 2 : i32
            %get3A_606 = arith.index_cast %scan3A_566 : i32 to index
            %get3A_607 = arith.index_cast %get3A_605 : i32 to index
            %get3A_608 = arith.constant 0 : index
            %get3A_609 = tpu.vector_load %arg5[%get3A_606, %get3A_607, %get3A_608] {strides = array<i32>} : memref<32x8x128xf32, #tpu.memory_space<vmem>>, vector<16xf32>,
            %lt3A_610 = arith.cmpf olt, %get3A_609, %scan3A_571 : vector<16xf32>
            %min3A_611 = arith.minimumf %scan3A_571, %get3A_609 : vector<16xf32>
            %select_n3A_612 = arith.select %lt3A_610, %add3A_589, %scan3A_572 : vector<16xi1>, vector<16xi32>
            %get3A_613 = arith.constant 3 : i32
            %get3A_614 = arith.index_cast %scan3A_566 : i32 to index
            %get3A_615 = arith.index_cast %get3A_613 : i32 to index
            %get3A_616 = arith.constant 0 : index
            %get3A_617 = tpu.vector_load %arg5[%get3A_614, %get3A_615, %get3A_616] {strides = array<i32>} : memref<32x8x128xf32, #tpu.memory_space<vmem>>, vector<16xf32>,
            %lt3A_618 = arith.cmpf olt, %get3A_617, %scan3A_573 : vector<16xf32>
            %min3A_619 = arith.minimumf %scan3A_573, %get3A_617 : vector<16xf32>
            %select_n3A_620 = arith.select %lt3A_618, %add3A_589, %scan3A_574 : vector<16xi1>, vector<16xi32>
            %get3A_621 = arith.constant 4 : i32
            %get3A_622 = arith.index_cast %scan3A_566 : i32 to index
            %get3A_623 = arith.index_cast %get3A_621 : i32 to index
            %get3A_624 = arith.constant 0 : index
            %get3A_625 = tpu.vector_load %arg5[%get3A_622, %get3A_623, %get3A_624] {strides = array<i32>} : memref<32x8x128xf32, #tpu.memory_space<vmem>>, vector<16xf32>,
            %lt3A_626 = arith.cmpf olt, %get3A_625, %scan3A_575 : vector<16xf32>
            %min3A_627 = arith.minimumf %scan3A_575, %get3A_625 : vector<16xf32>
            %select_n3A_628 = arith.select %lt3A_626, %add3A_589, %scan3A_576 : vector<16xi1>, vector<16xi32>
            %get3A_629 = arith.constant 5 : i32
            %get3A_630 = arith.index_cast %scan3A_566 : i32 to index
            %get3A_631 = arith.index_cast %get3A_629 : i32 to index
            %get3A_632 = arith.constant 0 : index
            %get3A_633 = tpu.vector_load %arg5[%get3A_630, %get3A_631, %get3A_632] {strides = array<i32>} : memref<32x8x128xf32, #tpu.memory_space<vmem>>, vector<16xf32>,
            %lt3A_634 = arith.cmpf olt, %get3A_633, %scan3A_577 : vector<16xf32>
            %min3A_635 = arith.minimumf %scan3A_577, %get3A_633 : vector<16xf32>
            %select_n3A_636 = arith.select %lt3A_634, %add3A_589, %scan3A_578 : vector<16xi1>, vector<16xi32>
            %get3A_637 = arith.constant 6 : i32
            %get3A_638 = arith.index_cast %scan3A_566 : i32 to index
            %get3A_639 = arith.index_cast %get3A_637 : i32 to index
            %get3A_640 = arith.constant 0 : index
            %get3A_641 = tpu.vector_load %arg5[%get3A_638, %get3A_639, %get3A_640] {strides = array<i32>} : memref<32x8x128xf32, #tpu.memory_space<vmem>>, vector<16xf32>,
            %lt3A_642 = arith.cmpf olt, %get3A_641, %scan3A_579 : vector<16xf32>
            %min3A_643 = arith.minimumf %scan3A_579, %get3A_641 : vector<16xf32>
            %select_n3A_644 = arith.select %lt3A_642, %add3A_589, %scan3A_580 : vector<16xi1>, vector<16xi32>
            %get3A_645 = arith.constant 7 : i32
            %get3A_646 = arith.index_cast %scan3A_566 : i32 to index
            %get3A_647 = arith.index_cast %get3A_645 : i32 to index
            %get3A_648 = arith.constant 0 : index
            %get3A_649 = tpu.vector_load %arg5[%get3A_646, %get3A_647, %get3A_648] {strides = array<i32>} : memref<32x8x128xf32, #tpu.memory_space<vmem>>, vector<16xf32>,
            %lt3A_650 = arith.cmpf olt, %get3A_649, %scan3A_581 : vector<16xf32>
            %min3A_651 = arith.minimumf %scan3A_581, %get3A_649 : vector<16xf32>
            %select_n3A_652 = arith.select %lt3A_650, %add3A_589, %scan3A_582 : vector<16xi1>, vector<16xi32>
            %add3A_653 = arith.constant 16 : i32
            %add3A_654 = arith.addi %mul3A_585, %add3A_653 : i32
            %add3A_655 = vector.broadcast %add3A_654 : i32 to vector<16xi32>
            %add3A_656 = arith.addi %iota3A_504, %add3A_655 : vector<16xi32>
            %get3A_657 = arith.constant 0 : i32
            %get3A_658 = arith.index_cast %scan3A_566 : i32 to index
            %get3A_659 = arith.index_cast %get3A_657 : i32 to index
            %get3A_660 = arith.constant 16 : index
            %get3A_661 = tpu.vector_load %arg5[%get3A_658, %get3A_659, %get3A_660] {strides = array<i32>} : memref<32x8x128xf32, #tpu.memory_space<vmem>>, vector<16xf32>,
            %lt3A_662 = arith.cmpf olt, %get3A_661, %min3A_595 : vector<16xf32>
            %min3A_663 = arith.minimumf %min3A_595, %get3A_661 : vector<16xf32>
            %select_n3A_664 = arith.select %lt3A_662, %add3A_656, %select_n3A_596 : vector<16xi1>, vector<16xi32>
            %get3A_665 = arith.constant 1 : i32
            %get3A_666 = arith.index_cast %scan3A_566 : i32 to index
            %get3A_667 = arith.index_cast %get3A_665 : i32 to index
            %get3A_668 = arith.constant 16 : index
            %get3A_669 = tpu.vector_load %arg5[%get3A_666, %get3A_667, %get3A_668] {strides = array<i32>} : memref<32x8x128xf32, #tpu.memory_space<vmem>>, vector<16xf32>,
            %lt3A_670 = arith.cmpf olt, %get3A_669, %min3A_603 : vector<16xf32>
            %min3A_671 = arith.minimumf %min3A_603, %get3A_669 : vector<16xf32>
            %select_n3A_672 = arith.select %lt3A_670, %add3A_656, %select_n3A_604 : vector<16xi1>, vector<16xi32>
            %get3A_673 = arith.constant 2 : i32
            %get3A_674 = arith.index_cast %scan3A_566 : i32 to index
            %get3A_675 = arith.index_cast %get3A_673 : i32 to index
            %get3A_676 = arith.constant 16 : index
            %get3A_677 = tpu.vector_load %arg5[%get3A_674, %get3A_675, %get3A_676] {strides = array<i32>} : memref<32x8x128xf32, #tpu.memory_space<vmem>>, vector<16xf32>,
            %lt3A_678 = arith.cmpf olt, %get3A_677, %min3A_611 : vector<16xf32>
            %min3A_679 = arith.minimumf %min3A_611, %get3A_677 : vector<16xf32>
            %select_n3A_680 = arith.select %lt3A_678, %add3A_656, %select_n3A_612 : vector<16xi1>, vector<16xi32>
            %get3A_681 = arith.constant 3 : i32
            %get3A_682 = arith.index_cast %scan3A_566 : i32 to index
            %get3A_683 = arith.index_cast %get3A_681 : i32 to index
            %get3A_684 = arith.constant 16 : index
            %get3A_685 = tpu.vector_load %arg5[%get3A_682, %get3A_683, %get3A_684] {strides = array<i32>} : memref<32x8x128xf32, #tpu.memory_space<vmem>>, vector<16xf32>,
            %lt3A_686 = arith.cmpf olt, %get3A_685, %min3A_619 : vector<16xf32>
            %min3A_687 = arith.minimumf %min3A_619, %get3A_685 : vector<16xf32>
            %select_n3A_688 = arith.select %lt3A_686, %add3A_656, %select_n3A_620 : vector<16xi1>, vector<16xi32>
            %get3A_689 = arith.constant 4 : i32
            %get3A_690 = arith.index_cast %scan3A_566 : i32 to index
            %get3A_691 = arith.index_cast %get3A_689 : i32 to index
            %get3A_692 = arith.constant 16 : index
            %get3A_693 = tpu.vector_load %arg5[%get3A_690, %get3A_691, %get3A_692] {strides = array<i32>} : memref<32x8x128xf32, #tpu.memory_space<vmem>>, vector<16xf32>,
            %lt3A_694 = arith.cmpf olt, %get3A_693, %min3A_627 : vector<16xf32>
            %min3A_695 = arith.minimumf %min3A_627, %get3A_693 : vector<16xf32>
            %select_n3A_696 = arith.select %lt3A_694, %add3A_656, %select_n3A_628 : vector<16xi1>, vector<16xi32>
            %get3A_697 = arith.constant 5 : i32
            %get3A_698 = arith.index_cast %scan3A_566 : i32 to index
            %get3A_699 = arith.index_cast %get3A_697 : i32 to index
            %get3A_700 = arith.constant 16 : index
            %get3A_701 = tpu.vector_load %arg5[%get3A_698, %get3A_699, %get3A_700] {strides = array<i32>} : memref<32x8x128xf32, #tpu.memory_space<vmem>>, vector<16xf32>,
            %lt3A_702 = arith.cmpf olt, %get3A_701, %min3A_635 : vector<16xf32>
            %min3A_703 = arith.minimumf %min3A_635, %get3A_701 : vector<16xf32>
            %select_n3A_704 = arith.select %lt3A_702, %add3A_656, %select_n3A_636 : vector<16xi1>, vector<16xi32>
            %get3A_705 = arith.constant 6 : i32
            %get3A_706 = arith.index_cast %scan3A_566 : i32 to index
            %get3A_707 = arith.index_cast %get3A_705 : i32 to index
            %get3A_708 = arith.constant 16 : index
            %get3A_709 = tpu.vector_load %arg5[%get3A_706, %get3A_707, %get3A_708] {strides = array<i32>} : memref<32x8x128xf32, #tpu.memory_space<vmem>>, vector<16xf32>,
            %lt3A_710 = arith.cmpf olt, %get3A_709, %min3A_643 : vector<16xf32>
            %min3A_711 = arith.minimumf %min3A_643, %get3A_709 : vector<16xf32>
            %select_n3A_712 = arith.select %lt3A_710, %add3A_656, %select_n3A_644 : vector<16xi1>, vector<16xi32>
            %get3A_713 = arith.constant 7 : i32
            %get3A_714 = arith.index_cast %scan3A_566 : i32 to index
            %get3A_715 = arith.index_cast %get3A_713 : i32 to index
            %get3A_716 = arith.constant 16 : index
            %get3A_717 = tpu.vector_load %arg5[%get3A_714, %get3A_715, %get3A_716] {strides = array<i32>} : memref<32x8x128xf32, #tpu.memory_space<vmem>>, vector<16xf32>,
            %lt3A_718 = arith.cmpf olt, %get3A_717, %min3A_651 : vector<16xf32>
            %min3A_719 = arith.minimumf %min3A_651, %get3A_717 : vector<16xf32>
            %select_n3A_720 = arith.select %lt3A_718, %add3A_656, %select_n3A_652 : vector<16xi1>, vector<16xi32>
            %add3A_721 = arith.constant 32 : i32
            %add3A_722 = arith.addi %mul3A_585, %add3A_721 : i32
            %add3A_723 = vector.broadcast %add3A_722 : i32 to vector<16xi32>
            %add3A_724 = arith.addi %iota3A_504, %add3A_723 : vector<16xi32>
            %get3A_725 = arith.constant 0 : i32
            %get3A_726 = arith.index_cast %scan3A_566 : i32 to index
            %get3A_727 = arith.index_cast %get3A_725 : i32 to index
            %get3A_728 = arith.constant 32 : index
            %get3A_729 = tpu.vector_load %arg5[%get3A_726, %get3A_727, %get3A_728] {strides = array<i32>} : memref<32x8x128xf32, #tpu.memory_space<vmem>>, vector<16xf32>,
            %lt3A_730 = arith.cmpf olt, %get3A_729, %min3A_663 : vector<16xf32>
            %min3A_731 = arith.minimumf %min3A_663, %get3A_729 : vector<16xf32>
            %select_n3A_732 = arith.select %lt3A_730, %add3A_724, %select_n3A_664 : vector<16xi1>, vector<16xi32>
            %get3A_733 = arith.constant 1 : i32
            %get3A_734 = arith.index_cast %scan3A_566 : i32 to index
            %get3A_735 = arith.index_cast %get3A_733 : i32 to index
            %get3A_736 = arith.constant 32 : index
            %get3A_737 = tpu.vector_load %arg5[%get3A_734, %get3A_735, %get3A_736] {strides = array<i32>} : memref<32x8x128xf32, #tpu.memory_space<vmem>>, vector<16xf32>,
            %lt3A_738 = arith.cmpf olt, %get3A_737, %min3A_671 : vector<16xf32>
            %min3A_739 = arith.minimumf %min3A_671, %get3A_737 : vector<16xf32>
            %select_n3A_740 = arith.select %lt3A_738, %add3A_724, %select_n3A_672 : vector<16xi1>, vector<16xi32>
            %get3A_741 = arith.constant 2 : i32
            %get3A_742 = arith.index_cast %scan3A_566 : i32 to index
            %get3A_743 = arith.index_cast %get3A_741 : i32 to index
            %get3A_744 = arith.constant 32 : index
            %get3A_745 = tpu.vector_load %arg5[%get3A_742, %get3A_743, %get3A_744] {strides = array<i32>} : memref<32x8x128xf32, #tpu.memory_space<vmem>>, vector<16xf32>,
            %lt3A_746 = arith.cmpf olt, %get3A_745, %min3A_679 : vector<16xf32>
            %min3A_747 = arith.minimumf %min3A_679, %get3A_745 : vector<16xf32>
            %select_n3A_748 = arith.select %lt3A_746, %add3A_724, %select_n3A_680 : vector<16xi1>, vector<16xi32>
            %get3A_749 = arith.constant 3 : i32
            %get3A_750 = arith.index_cast %scan3A_566 : i32 to index
            %get3A_751 = arith.index_cast %get3A_749 : i32 to index
            %get3A_752 = arith.constant 32 : index
            %get3A_753 = tpu.vector_load %arg5[%get3A_750, %get3A_751, %get3A_752] {strides = array<i32>} : memref<32x8x128xf32, #tpu.memory_space<vmem>>, vector<16xf32>,
            %lt3A_754 = arith.cmpf olt, %get3A_753, %min3A_687 : vector<16xf32>
            %min3A_755 = arith.minimumf %min3A_687, %get3A_753 : vector<16xf32>
            %select_n3A_756 = arith.select %lt3A_754, %add3A_724, %select_n3A_688 : vector<16xi1>, vector<16xi32>
            %get3A_757 = arith.constant 4 : i32
            %get3A_758 = arith.index_cast %scan3A_566 : i32 to index
            %get3A_759 = arith.index_cast %get3A_757 : i32 to index
            %get3A_760 = arith.constant 32 : index
            %get3A_761 = tpu.vector_load %arg5[%get3A_758, %get3A_759, %get3A_760] {strides = array<i32>} : memref<32x8x128xf32, #tpu.memory_space<vmem>>, vector<16xf32>,
            %lt3A_762 = arith.cmpf olt, %get3A_761, %min3A_695 : vector<16xf32>
            %min3A_763 = arith.minimumf %min3A_695, %get3A_761 : vector<16xf32>
            %select_n3A_764 = arith.select %lt3A_762, %add3A_724, %select_n3A_696 : vector<16xi1>, vector<16xi32>
            %get3A_765 = arith.constant 5 : i32
            %get3A_766 = arith.index_cast %scan3A_566 : i32 to index
            %get3A_767 = arith.index_cast %get3A_765 : i32 to index
            %get3A_768 = arith.constant 32 : index
            %get3A_769 = tpu.vector_load %arg5[%get3A_766, %get3A_767, %get3A_768] {strides = array<i32>} : memref<32x8x128xf32, #tpu.memory_space<vmem>>, vector<16xf32>,
            %lt3A_770 = arith.cmpf olt, %get3A_769, %min3A_703 : vector<16xf32>
            %min3A_771 = arith.minimumf %min3A_703, %get3A_769 : vector<16xf32>
            %select_n3A_772 = arith.select %lt3A_770, %add3A_724, %select_n3A_704 : vector<16xi1>, vector<16xi32>
            %get3A_773 = arith.constant 6 : i32
            %get3A_774 = arith.index_cast %scan3A_566 : i32 to index
            %get3A_775 = arith.index_cast %get3A_773 : i32 to index
            %get3A_776 = arith.constant 32 : index
            %get3A_777 = tpu.vector_load %arg5[%get3A_774, %get3A_775, %get3A_776] {strides = array<i32>} : memref<32x8x128xf32, #tpu.memory_space<vmem>>, vector<16xf32>,
            %lt3A_778 = arith.cmpf olt, %get3A_777, %min3A_711 : vector<16xf32>
            %min3A_779 = arith.minimumf %min3A_711, %get3A_777 : vector<16xf32>
            %select_n3A_780 = arith.select %lt3A_778, %add3A_724, %select_n3A_712 : vector<16xi1>, vector<16xi32>
            %get3A_781 = arith.constant 7 : i32
            %get3A_782 = arith.index_cast %scan3A_566 : i32 to index
            %get3A_783 = arith.index_cast %get3A_781 : i32 to index
            %get3A_784 = arith.constant 32 : index
            %get3A_785 = tpu.vector_load %arg5[%get3A_782, %get3A_783, %get3A_784] {strides = array<i32>} : memref<32x8x128xf32, #tpu.memory_space<vmem>>, vector<16xf32>,
            %lt3A_786 = arith.cmpf olt, %get3A_785, %min3A_719 : vector<16xf32>
            %min3A_787 = arith.minimumf %min3A_719, %get3A_785 : vector<16xf32>
            %select_n3A_788 = arith.select %lt3A_786, %add3A_724, %select_n3A_720 : vector<16xi1>, vector<16xi32>
            %add3A_789 = arith.constant 48 : i32
            %add3A_790 = arith.addi %mul3A_585, %add3A_789 : i32
            %add3A_791 = vector.broadcast %add3A_790 : i32 to vector<16xi32>
            %add3A_792 = arith.addi %iota3A_504, %add3A_791 : vector<16xi32>
            %get3A_793 = arith.constant 0 : i32
            %get3A_794 = arith.index_cast %scan3A_566 : i32 to index
            %get3A_795 = arith.index_cast %get3A_793 : i32 to index
            %get3A_796 = arith.constant 48 : index
            %get3A_797 = tpu.vector_load %arg5[%get3A_794, %get3A_795, %get3A_796] {strides = array<i32>} : memref<32x8x128xf32, #tpu.memory_space<vmem>>, vector<16xf32>,
            %lt3A_798 = arith.cmpf olt, %get3A_797, %min3A_731 : vector<16xf32>
            %min3A_799 = arith.minimumf %min3A_731, %get3A_797 : vector<16xf32>
            %select_n3A_800 = arith.select %lt3A_798, %add3A_792, %select_n3A_732 : vector<16xi1>, vector<16xi32>
            %get3A_801 = arith.constant 1 : i32
            %get3A_802 = arith.index_cast %scan3A_566 : i32 to index
            %get3A_803 = arith.index_cast %get3A_801 : i32 to index
            %get3A_804 = arith.constant 48 : index
            %get3A_805 = tpu.vector_load %arg5[%get3A_802, %get3A_803, %get3A_804] {strides = array<i32>} : memref<32x8x128xf32, #tpu.memory_space<vmem>>, vector<16xf32>,
            %lt3A_806 = arith.cmpf olt, %get3A_805, %min3A_739 : vector<16xf32>
            %min3A_807 = arith.minimumf %min3A_739, %get3A_805 : vector<16xf32>
            %select_n3A_808 = arith.select %lt3A_806, %add3A_792, %select_n3A_740 : vector<16xi1>, vector<16xi32>
            %get3A_809 = arith.constant 2 : i32
            %get3A_810 = arith.index_cast %scan3A_566 : i32 to index
            %get3A_811 = arith.index_cast %get3A_809 : i32 to index
            %get3A_812 = arith.constant 48 : index
            %get3A_813 = tpu.vector_load %arg5[%get3A_810, %get3A_811, %get3A_812] {strides = array<i32>} : memref<32x8x128xf32, #tpu.memory_space<vmem>>, vector<16xf32>,
            %lt3A_814 = arith.cmpf olt, %get3A_813, %min3A_747 : vector<16xf32>
            %min3A_815 = arith.minimumf %min3A_747, %get3A_813 : vector<16xf32>
            %select_n3A_816 = arith.select %lt3A_814, %add3A_792, %select_n3A_748 : vector<16xi1>, vector<16xi32>
            %get3A_817 = arith.constant 3 : i32
            %get3A_818 = arith.index_cast %scan3A_566 : i32 to index
            %get3A_819 = arith.index_cast %get3A_817 : i32 to index
            %get3A_820 = arith.constant 48 : index
            %get3A_821 = tpu.vector_load %arg5[%get3A_818, %get3A_819, %get3A_820] {strides = array<i32>} : memref<32x8x128xf32, #tpu.memory_space<vmem>>, vector<16xf32>,
            %lt3A_822 = arith.cmpf olt, %get3A_821, %min3A_755 : vector<16xf32>
            %min3A_823 = arith.minimumf %min3A_755, %get3A_821 : vector<16xf32>
            %select_n3A_824 = arith.select %lt3A_822, %add3A_792, %select_n3A_756 : vector<16xi1>, vector<16xi32>
            %get3A_825 = arith.constant 4 : i32
            %get3A_826 = arith.index_cast %scan3A_566 : i32 to index
            %get3A_827 = arith.index_cast %get3A_825 : i32 to index
            %get3A_828 = arith.constant 48 : index
            %get3A_829 = tpu.vector_load %arg5[%get3A_826, %get3A_827, %get3A_828] {strides = array<i32>} : memref<32x8x128xf32, #tpu.memory_space<vmem>>, vector<16xf32>,
            %lt3A_830 = arith.cmpf olt, %get3A_829, %min3A_763 : vector<16xf32>
            %min3A_831 = arith.minimumf %min3A_763, %get3A_829 : vector<16xf32>
            %select_n3A_832 = arith.select %lt3A_830, %add3A_792, %select_n3A_764 : vector<16xi1>, vector<16xi32>
            %get3A_833 = arith.constant 5 : i32
            %get3A_834 = arith.index_cast %scan3A_566 : i32 to index
            %get3A_835 = arith.index_cast %get3A_833 : i32 to index
            %get3A_836 = arith.constant 48 : index
            %get3A_837 = tpu.vector_load %arg5[%get3A_834, %get3A_835, %get3A_836] {strides = array<i32>} : memref<32x8x128xf32, #tpu.memory_space<vmem>>, vector<16xf32>,
            %lt3A_838 = arith.cmpf olt, %get3A_837, %min3A_771 : vector<16xf32>
            %min3A_839 = arith.minimumf %min3A_771, %get3A_837 : vector<16xf32>
            %select_n3A_840 = arith.select %lt3A_838, %add3A_792, %select_n3A_772 : vector<16xi1>, vector<16xi32>
            %get3A_841 = arith.constant 6 : i32
            %get3A_842 = arith.index_cast %scan3A_566 : i32 to index
            %get3A_843 = arith.index_cast %get3A_841 : i32 to index
            %get3A_844 = arith.constant 48 : index
            %get3A_845 = tpu.vector_load %arg5[%get3A_842, %get3A_843, %get3A_844] {strides = array<i32>} : memref<32x8x128xf32, #tpu.memory_space<vmem>>, vector<16xf32>,
            %lt3A_846 = arith.cmpf olt, %get3A_845, %min3A_779 : vector<16xf32>
            %min3A_847 = arith.minimumf %min3A_779, %get3A_845 : vector<16xf32>
            %select_n3A_848 = arith.select %lt3A_846, %add3A_792, %select_n3A_780 : vector<16xi1>, vector<16xi32>
            %get3A_849 = arith.constant 7 : i32
            %get3A_850 = arith.index_cast %scan3A_566 : i32 to index
            %get3A_851 = arith.index_cast %get3A_849 : i32 to index
            %get3A_852 = arith.constant 48 : index
            %get3A_853 = tpu.vector_load %arg5[%get3A_850, %get3A_851, %get3A_852] {strides = array<i32>} : memref<32x8x128xf32, #tpu.memory_space<vmem>>, vector<16xf32>,
            %lt3A_854 = arith.cmpf olt, %get3A_853, %min3A_787 : vector<16xf32>
            %min3A_855 = arith.minimumf %min3A_787, %get3A_853 : vector<16xf32>
            %select_n3A_856 = arith.select %lt3A_854, %add3A_792, %select_n3A_788 : vector<16xi1>, vector<16xi32>
            %add3A_857 = arith.constant 64 : i32
            %add3A_858 = arith.addi %mul3A_585, %add3A_857 : i32
            %add3A_859 = vector.broadcast %add3A_858 : i32 to vector<16xi32>
            %add3A_860 = arith.addi %iota3A_504, %add3A_859 : vector<16xi32>
            %get3A_861 = arith.constant 0 : i32
            %get3A_862 = arith.index_cast %scan3A_566 : i32 to index
            %get3A_863 = arith.index_cast %get3A_861 : i32 to index
            %get3A_864 = arith.constant 64 : index
            %get3A_865 = tpu.vector_load %arg5[%get3A_862, %get3A_863, %get3A_864] {strides = array<i32>} : memref<32x8x128xf32, #tpu.memory_space<vmem>>, vector<16xf32>,
            %lt3A_866 = arith.cmpf olt, %get3A_865, %min3A_799 : vector<16xf32>
            %min3A_867 = arith.minimumf %min3A_799, %get3A_865 : vector<16xf32>
            %select_n3A_868 = arith.select %lt3A_866, %add3A_860, %select_n3A_800 : vector<16xi1>, vector<16xi32>
            %get3A_869 = arith.constant 1 : i32
            %get3A_870 = arith.index_cast %scan3A_566 : i32 to index
            %get3A_871 = arith.index_cast %get3A_869 : i32 to index
            %get3A_872 = arith.constant 64 : index
            %get3A_873 = tpu.vector_load %arg5[%get3A_870, %get3A_871, %get3A_872] {strides = array<i32>} : memref<32x8x128xf32, #tpu.memory_space<vmem>>, vector<16xf32>,
            %lt3A_874 = arith.cmpf olt, %get3A_873, %min3A_807 : vector<16xf32>
            %min3A_875 = arith.minimumf %min3A_807, %get3A_873 : vector<16xf32>
            %select_n3A_876 = arith.select %lt3A_874, %add3A_860, %select_n3A_808 : vector<16xi1>, vector<16xi32>
            %get3A_877 = arith.constant 2 : i32
            %get3A_878 = arith.index_cast %scan3A_566 : i32 to index
            %get3A_879 = arith.index_cast %get3A_877 : i32 to index
            %get3A_880 = arith.constant 64 : index
            %get3A_881 = tpu.vector_load %arg5[%get3A_878, %get3A_879, %get3A_880] {strides = array<i32>} : memref<32x8x128xf32, #tpu.memory_space<vmem>>, vector<16xf32>,
            %lt3A_882 = arith.cmpf olt, %get3A_881, %min3A_815 : vector<16xf32>
            %min3A_883 = arith.minimumf %min3A_815, %get3A_881 : vector<16xf32>
            %select_n3A_884 = arith.select %lt3A_882, %add3A_860, %select_n3A_816 : vector<16xi1>, vector<16xi32>
            %get3A_885 = arith.constant 3 : i32
            %get3A_886 = arith.index_cast %scan3A_566 : i32 to index
            %get3A_887 = arith.index_cast %get3A_885 : i32 to index
            %get3A_888 = arith.constant 64 : index
            %get3A_889 = tpu.vector_load %arg5[%get3A_886, %get3A_887, %get3A_888] {strides = array<i32>} : memref<32x8x128xf32, #tpu.memory_space<vmem>>, vector<16xf32>,
            %lt3A_890 = arith.cmpf olt, %get3A_889, %min3A_823 : vector<16xf32>
            %min3A_891 = arith.minimumf %min3A_823, %get3A_889 : vector<16xf32>
            %select_n3A_892 = arith.select %lt3A_890, %add3A_860, %select_n3A_824 : vector<16xi1>, vector<16xi32>
            %get3A_893 = arith.constant 4 : i32
            %get3A_894 = arith.index_cast %scan3A_566 : i32 to index
            %get3A_895 = arith.index_cast %get3A_893 : i32 to index
            %get3A_896 = arith.constant 64 : index
            %get3A_897 = tpu.vector_load %arg5[%get3A_894, %get3A_895, %get3A_896] {strides = array<i32>} : memref<32x8x128xf32, #tpu.memory_space<vmem>>, vector<16xf32>,
            %lt3A_898 = arith.cmpf olt, %get3A_897, %min3A_831 : vector<16xf32>
            %min3A_899 = arith.minimumf %min3A_831, %get3A_897 : vector<16xf32>
            %select_n3A_900 = arith.select %lt3A_898, %add3A_860, %select_n3A_832 : vector<16xi1>, vector<16xi32>
            %get3A_901 = arith.constant 5 : i32
            %get3A_902 = arith.index_cast %scan3A_566 : i32 to index
            %get3A_903 = arith.index_cast %get3A_901 : i32 to index
            %get3A_904 = arith.constant 64 : index
            %get3A_905 = tpu.vector_load %arg5[%get3A_902, %get3A_903, %get3A_904] {strides = array<i32>} : memref<32x8x128xf32, #tpu.memory_space<vmem>>, vector<16xf32>,
            %lt3A_906 = arith.cmpf olt, %get3A_905, %min3A_839 : vector<16xf32>
            %min3A_907 = arith.minimumf %min3A_839, %get3A_905 : vector<16xf32>
            %select_n3A_908 = arith.select %lt3A_906, %add3A_860, %select_n3A_840 : vector<16xi1>, vector<16xi32>
            %get3A_909 = arith.constant 6 : i32
            %get3A_910 = arith.index_cast %scan3A_566 : i32 to index
            %get3A_911 = arith.index_cast %get3A_909 : i32 to index
            %get3A_912 = arith.constant 64 : index
            %get3A_913 = tpu.vector_load %arg5[%get3A_910, %get3A_911, %get3A_912] {strides = array<i32>} : memref<32x8x128xf32, #tpu.memory_space<vmem>>, vector<16xf32>,
            %lt3A_914 = arith.cmpf olt, %get3A_913, %min3A_847 : vector<16xf32>
            %min3A_915 = arith.minimumf %min3A_847, %get3A_913 : vector<16xf32>
            %select_n3A_916 = arith.select %lt3A_914, %add3A_860, %select_n3A_848 : vector<16xi1>, vector<16xi32>
            %get3A_917 = arith.constant 7 : i32
            %get3A_918 = arith.index_cast %scan3A_566 : i32 to index
            %get3A_919 = arith.index_cast %get3A_917 : i32 to index
            %get3A_920 = arith.constant 64 : index
            %get3A_921 = tpu.vector_load %arg5[%get3A_918, %get3A_919, %get3A_920] {strides = array<i32>} : memref<32x8x128xf32, #tpu.memory_space<vmem>>, vector<16xf32>,
            %lt3A_922 = arith.cmpf olt, %get3A_921, %min3A_855 : vector<16xf32>
            %min3A_923 = arith.minimumf %min3A_855, %get3A_921 : vector<16xf32>
            %select_n3A_924 = arith.select %lt3A_922, %add3A_860, %select_n3A_856 : vector<16xi1>, vector<16xi32>
            %add3A_925 = arith.constant 80 : i32
            %add3A_926 = arith.addi %mul3A_585, %add3A_925 : i32
            %add3A_927 = vector.broadcast %add3A_926 : i32 to vector<16xi32>
            %add3A_928 = arith.addi %iota3A_504, %add3A_927 : vector<16xi32>
            %get3A_929 = arith.constant 0 : i32
            %get3A_930 = arith.index_cast %scan3A_566 : i32 to index
            %get3A_931 = arith.index_cast %get3A_929 : i32 to index
            %get3A_932 = arith.constant 80 : index
            %get3A_933 = tpu.vector_load %arg5[%get3A_930, %get3A_931, %get3A_932] {strides = array<i32>} : memref<32x8x128xf32, #tpu.memory_space<vmem>>, vector<16xf32>,
            %lt3A_934 = arith.cmpf olt, %get3A_933, %min3A_867 : vector<16xf32>
            %min3A_935 = arith.minimumf %min3A_867, %get3A_933 : vector<16xf32>
            %select_n3A_936 = arith.select %lt3A_934, %add3A_928, %select_n3A_868 : vector<16xi1>, vector<16xi32>
            %get3A_937 = arith.constant 1 : i32
            %get3A_938 = arith.index_cast %scan3A_566 : i32 to index
            %get3A_939 = arith.index_cast %get3A_937 : i32 to index
            %get3A_940 = arith.constant 80 : index
            %get3A_941 = tpu.vector_load %arg5[%get3A_938, %get3A_939, %get3A_940] {strides = array<i32>} : memref<32x8x128xf32, #tpu.memory_space<vmem>>, vector<16xf32>,
            %lt3A_942 = arith.cmpf olt, %get3A_941, %min3A_875 : vector<16xf32>
            %min3A_943 = arith.minimumf %min3A_875, %get3A_941 : vector<16xf32>
            %select_n3A_944 = arith.select %lt3A_942, %add3A_928, %select_n3A_876 : vector<16xi1>, vector<16xi32>
            %get3A_945 = arith.constant 2 : i32
            %get3A_946 = arith.index_cast %scan3A_566 : i32 to index
            %get3A_947 = arith.index_cast %get3A_945 : i32 to index
            %get3A_948 = arith.constant 80 : index
            %get3A_949 = tpu.vector_load %arg5[%get3A_946, %get3A_947, %get3A_948] {strides = array<i32>} : memref<32x8x128xf32, #tpu.memory_space<vmem>>, vector<16xf32>,
            %lt3A_950 = arith.cmpf olt, %get3A_949, %min3A_883 : vector<16xf32>
            %min3A_951 = arith.minimumf %min3A_883, %get3A_949 : vector<16xf32>
            %select_n3A_952 = arith.select %lt3A_950, %add3A_928, %select_n3A_884 : vector<16xi1>, vector<16xi32>
            %get3A_953 = arith.constant 3 : i32
            %get3A_954 = arith.index_cast %scan3A_566 : i32 to index
            %get3A_955 = arith.index_cast %get3A_953 : i32 to index
            %get3A_956 = arith.constant 80 : index
            %get3A_957 = tpu.vector_load %arg5[%get3A_954, %get3A_955, %get3A_956] {strides = array<i32>} : memref<32x8x128xf32, #tpu.memory_space<vmem>>, vector<16xf32>,
            %lt3A_958 = arith.cmpf olt, %get3A_957, %min3A_891 : vector<16xf32>
            %min3A_959 = arith.minimumf %min3A_891, %get3A_957 : vector<16xf32>
            %select_n3A_960 = arith.select %lt3A_958, %add3A_928, %select_n3A_892 : vector<16xi1>, vector<16xi32>
            %get3A_961 = arith.constant 4 : i32
            %get3A_962 = arith.index_cast %scan3A_566 : i32 to index
            %get3A_963 = arith.index_cast %get3A_961 : i32 to index
            %get3A_964 = arith.constant 80 : index
            %get3A_965 = tpu.vector_load %arg5[%get3A_962, %get3A_963, %get3A_964] {strides = array<i32>} : memref<32x8x128xf32, #tpu.memory_space<vmem>>, vector<16xf32>,
            %lt3A_966 = arith.cmpf olt, %get3A_965, %min3A_899 : vector<16xf32>
            %min3A_967 = arith.minimumf %min3A_899, %get3A_965 : vector<16xf32>
            %select_n3A_968 = arith.select %lt3A_966, %add3A_928, %select_n3A_900 : vector<16xi1>, vector<16xi32>
            %get3A_969 = arith.constant 5 : i32
            %get3A_970 = arith.index_cast %scan3A_566 : i32 to index
            %get3A_971 = arith.index_cast %get3A_969 : i32 to index
            %get3A_972 = arith.constant 80 : index
            %get3A_973 = tpu.vector_load %arg5[%get3A_970, %get3A_971, %get3A_972] {strides = array<i32>} : memref<32x8x128xf32, #tpu.memory_space<vmem>>, vector<16xf32>,
            %lt3A_974 = arith.cmpf olt, %get3A_973, %min3A_907 : vector<16xf32>
            %min3A_975 = arith.minimumf %min3A_907, %get3A_973 : vector<16xf32>
            %select_n3A_976 = arith.select %lt3A_974, %add3A_928, %select_n3A_908 : vector<16xi1>, vector<16xi32>
            %get3A_977 = arith.constant 6 : i32
            %get3A_978 = arith.index_cast %scan3A_566 : i32 to index
            %get3A_979 = arith.index_cast %get3A_977 : i32 to index
            %get3A_980 = arith.constant 80 : index
            %get3A_981 = tpu.vector_load %arg5[%get3A_978, %get3A_979, %get3A_980] {strides = array<i32>} : memref<32x8x128xf32, #tpu.memory_space<vmem>>, vector<16xf32>,
            %lt3A_982 = arith.cmpf olt, %get3A_981, %min3A_915 : vector<16xf32>
            %min3A_983 = arith.minimumf %min3A_915, %get3A_981 : vector<16xf32>
            %select_n3A_984 = arith.select %lt3A_982, %add3A_928, %select_n3A_916 : vector<16xi1>, vector<16xi32>
            %get3A_985 = arith.constant 7 : i32
            %get3A_986 = arith.index_cast %scan3A_566 : i32 to index
            %get3A_987 = arith.index_cast %get3A_985 : i32 to index
            %get3A_988 = arith.constant 80 : index
            %get3A_989 = tpu.vector_load %arg5[%get3A_986, %get3A_987, %get3A_988] {strides = array<i32>} : memref<32x8x128xf32, #tpu.memory_space<vmem>>, vector<16xf32>,
            %lt3A_990 = arith.cmpf olt, %get3A_989, %min3A_923 : vector<16xf32>
            %min3A_991 = arith.minimumf %min3A_923, %get3A_989 : vector<16xf32>
            %select_n3A_992 = arith.select %lt3A_990, %add3A_928, %select_n3A_924 : vector<16xi1>, vector<16xi32>
            %add3A_993 = arith.constant 96 : i32
            %add3A_994 = arith.addi %mul3A_585, %add3A_993 : i32
            %add3A_995 = vector.broadcast %add3A_994 : i32 to vector<16xi32>
            %add3A_996 = arith.addi %iota3A_504, %add3A_995 : vector<16xi32>
            %get3A_997 = arith.constant 0 : i32
            %get3A_998 = arith.index_cast %scan3A_566 : i32 to index
            %get3A_999 = arith.index_cast %get3A_997 : i32 to index
            %get3A_1000 = arith.constant 96 : index
            %get3A_1001 = tpu.vector_load %arg5[%get3A_998, %get3A_999, %get3A_1000] {strides = array<i32>} : memref<32x8x128xf32, #tpu.memory_space<vmem>>, vector<16xf32>,
            %lt3A_1002 = arith.cmpf olt, %get3A_1001, %min3A_935 : vector<16xf32>
            %min3A_1003 = arith.minimumf %min3A_935, %get3A_1001 : vector<16xf32>
            %select_n3A_1004 = arith.select %lt3A_1002, %add3A_996, %select_n3A_936 : vector<16xi1>, vector<16xi32>
            %get3A_1005 = arith.constant 1 : i32
            %get3A_1006 = arith.index_cast %scan3A_566 : i32 to index
            %get3A_1007 = arith.index_cast %get3A_1005 : i32 to index
            %get3A_1008 = arith.constant 96 : index
            %get3A_1009 = tpu.vector_load %arg5[%get3A_1006, %get3A_1007, %get3A_1008] {strides = array<i32>} : memref<32x8x128xf32, #tpu.memory_space<vmem>>, vector<16xf32>,
            %lt3A_1010 = arith.cmpf olt, %get3A_1009, %min3A_943 : vector<16xf32>
            %min3A_1011 = arith.minimumf %min3A_943, %get3A_1009 : vector<16xf32>
            %select_n3A_1012 = arith.select %lt3A_1010, %add3A_996, %select_n3A_944 : vector<16xi1>, vector<16xi32>
            %get3A_1013 = arith.constant 2 : i32
            %get3A_1014 = arith.index_cast %scan3A_566 : i32 to index
            %get3A_1015 = arith.index_cast %get3A_1013 : i32 to index
            %get3A_1016 = arith.constant 96 : index
            %get3A_1017 = tpu.vector_load %arg5[%get3A_1014, %get3A_1015, %get3A_1016] {strides = array<i32>} : memref<32x8x128xf32, #tpu.memory_space<vmem>>, vector<16xf32>,
            %lt3A_1018 = arith.cmpf olt, %get3A_1017, %min3A_951 : vector<16xf32>
            %min3A_1019 = arith.minimumf %min3A_951, %get3A_1017 : vector<16xf32>
            %select_n3A_1020 = arith.select %lt3A_1018, %add3A_996, %select_n3A_952 : vector<16xi1>, vector<16xi32>
            %get3A_1021 = arith.constant 3 : i32
            %get3A_1022 = arith.index_cast %scan3A_566 : i32 to index
            %get3A_1023 = arith.index_cast %get3A_1021 : i32 to index
            %get3A_1024 = arith.constant 96 : index
            %get3A_1025 = tpu.vector_load %arg5[%get3A_1022, %get3A_1023, %get3A_1024] {strides = array<i32>} : memref<32x8x128xf32, #tpu.memory_space<vmem>>, vector<16xf32>,
            %lt3A_1026 = arith.cmpf olt, %get3A_1025, %min3A_959 : vector<16xf32>
            %min3A_1027 = arith.minimumf %min3A_959, %get3A_1025 : vector<16xf32>
            %select_n3A_1028 = arith.select %lt3A_1026, %add3A_996, %select_n3A_960 : vector<16xi1>, vector<16xi32>
            %get3A_1029 = arith.constant 4 : i32
            %get3A_1030 = arith.index_cast %scan3A_566 : i32 to index
            %get3A_1031 = arith.index_cast %get3A_1029 : i32 to index
            %get3A_1032 = arith.constant 96 : index
            %get3A_1033 = tpu.vector_load %arg5[%get3A_1030, %get3A_1031, %get3A_1032] {strides = array<i32>} : memref<32x8x128xf32, #tpu.memory_space<vmem>>, vector<16xf32>,
            %lt3A_1034 = arith.cmpf olt, %get3A_1033, %min3A_967 : vector<16xf32>
            %min3A_1035 = arith.minimumf %min3A_967, %get3A_1033 : vector<16xf32>
            %select_n3A_1036 = arith.select %lt3A_1034, %add3A_996, %select_n3A_968 : vector<16xi1>, vector<16xi32>
            %get3A_1037 = arith.constant 5 : i32
            %get3A_1038 = arith.index_cast %scan3A_566 : i32 to index
            %get3A_1039 = arith.index_cast %get3A_1037 : i32 to index
            %get3A_1040 = arith.constant 96 : index
            %get3A_1041 = tpu.vector_load %arg5[%get3A_1038, %get3A_1039, %get3A_1040] {strides = array<i32>} : memref<32x8x128xf32, #tpu.memory_space<vmem>>, vector<16xf32>,
            %lt3A_1042 = arith.cmpf olt, %get3A_1041, %min3A_975 : vector<16xf32>
            %min3A_1043 = arith.minimumf %min3A_975, %get3A_1041 : vector<16xf32>
            %select_n3A_1044 = arith.select %lt3A_1042, %add3A_996, %select_n3A_976 : vector<16xi1>, vector<16xi32>
            %get3A_1045 = arith.constant 6 : i32
            %get3A_1046 = arith.index_cast %scan3A_566 : i32 to index
            %get3A_1047 = arith.index_cast %get3A_1045 : i32 to index
            %get3A_1048 = arith.constant 96 : index
            %get3A_1049 = tpu.vector_load %arg5[%get3A_1046, %get3A_1047, %get3A_1048] {strides = array<i32>} : memref<32x8x128xf32, #tpu.memory_space<vmem>>, vector<16xf32>,
            %lt3A_1050 = arith.cmpf olt, %get3A_1049, %min3A_983 : vector<16xf32>
            %min3A_1051 = arith.minimumf %min3A_983, %get3A_1049 : vector<16xf32>
            %select_n3A_1052 = arith.select %lt3A_1050, %add3A_996, %select_n3A_984 : vector<16xi1>, vector<16xi32>
            %get3A_1053 = arith.constant 7 : i32
            %get3A_1054 = arith.index_cast %scan3A_566 : i32 to index
            %get3A_1055 = arith.index_cast %get3A_1053 : i32 to index
            %get3A_1056 = arith.constant 96 : index
            %get3A_1057 = tpu.vector_load %arg5[%get3A_1054, %get3A_1055, %get3A_1056] {strides = array<i32>} : memref<32x8x128xf32, #tpu.memory_space<vmem>>, vector<16xf32>,
            %lt3A_1058 = arith.cmpf olt, %get3A_1057, %min3A_991 : vector<16xf32>
            %min3A_1059 = arith.minimumf %min3A_991, %get3A_1057 : vector<16xf32>
            %select_n3A_1060 = arith.select %lt3A_1058, %add3A_996, %select_n3A_992 : vector<16xi1>, vector<16xi32>
            %add3A_1061 = arith.constant 112 : i32
            %add3A_1062 = arith.addi %mul3A_585, %add3A_1061 : i32
            %add3A_1063 = vector.broadcast %add3A_1062 : i32 to vector<16xi32>
            %add3A_1064 = arith.addi %iota3A_504, %add3A_1063 : vector<16xi32>
            %get3A_1065 = arith.constant 0 : i32
            %get3A_1066 = arith.index_cast %scan3A_566 : i32 to index
            %get3A_1067 = arith.index_cast %get3A_1065 : i32 to index
            %get3A_1068 = arith.constant 112 : index
            %get3A_1069 = tpu.vector_load %arg5[%get3A_1066, %get3A_1067, %get3A_1068] {strides = array<i32>} : memref<32x8x128xf32, #tpu.memory_space<vmem>>, vector<16xf32>,
            %lt3A_1070 = arith.cmpf olt, %get3A_1069, %min3A_1003 : vector<16xf32>
            %min3A_1071 = arith.minimumf %min3A_1003, %get3A_1069 : vector<16xf32>
            %select_n3A_1072 = arith.select %lt3A_1070, %add3A_1064, %select_n3A_1004 : vector<16xi1>, vector<16xi32>
            %get3A_1073 = arith.constant 1 : i32
            %get3A_1074 = arith.index_cast %scan3A_566 : i32 to index
            %get3A_1075 = arith.index_cast %get3A_1073 : i32 to index
            %get3A_1076 = arith.constant 112 : index
            %get3A_1077 = tpu.vector_load %arg5[%get3A_1074, %get3A_1075, %get3A_1076] {strides = array<i32>} : memref<32x8x128xf32, #tpu.memory_space<vmem>>, vector<16xf32>,
            %lt3A_1078 = arith.cmpf olt, %get3A_1077, %min3A_1011 : vector<16xf32>
            %min3A_1079 = arith.minimumf %min3A_1011, %get3A_1077 : vector<16xf32>
            %select_n3A_1080 = arith.select %lt3A_1078, %add3A_1064, %select_n3A_1012 : vector<16xi1>, vector<16xi32>
            %get3A_1081 = arith.constant 2 : i32
            %get3A_1082 = arith.index_cast %scan3A_566 : i32 to index
            %get3A_1083 = arith.index_cast %get3A_1081 : i32 to index
            %get3A_1084 = arith.constant 112 : index
            %get3A_1085 = tpu.vector_load %arg5[%get3A_1082, %get3A_1083, %get3A_1084] {strides = array<i32>} : memref<32x8x128xf32, #tpu.memory_space<vmem>>, vector<16xf32>,
            %lt3A_1086 = arith.cmpf olt, %get3A_1085, %min3A_1019 : vector<16xf32>
            %min3A_1087 = arith.minimumf %min3A_1019, %get3A_1085 : vector<16xf32>
            %select_n3A_1088 = arith.select %lt3A_1086, %add3A_1064, %select_n3A_1020 : vector<16xi1>, vector<16xi32>
            %get3A_1089 = arith.constant 3 : i32
            %get3A_1090 = arith.index_cast %scan3A_566 : i32 to index
            %get3A_1091 = arith.index_cast %get3A_1089 : i32 to index
            %get3A_1092 = arith.constant 112 : index
            %get3A_1093 = tpu.vector_load %arg5[%get3A_1090, %get3A_1091, %get3A_1092] {strides = array<i32>} : memref<32x8x128xf32, #tpu.memory_space<vmem>>, vector<16xf32>,
            %lt3A_1094 = arith.cmpf olt, %get3A_1093, %min3A_1027 : vector<16xf32>
            %min3A_1095 = arith.minimumf %min3A_1027, %get3A_1093 : vector<16xf32>
            %select_n3A_1096 = arith.select %lt3A_1094, %add3A_1064, %select_n3A_1028 : vector<16xi1>, vector<16xi32>
            %get3A_1097 = arith.constant 4 : i32
            %get3A_1098 = arith.index_cast %scan3A_566 : i32 to index
            %get3A_1099 = arith.index_cast %get3A_1097 : i32 to index
            %get3A_1100 = arith.constant 112 : index
            %get3A_1101 = tpu.vector_load %arg5[%get3A_1098, %get3A_1099, %get3A_1100] {strides = array<i32>} : memref<32x8x128xf32, #tpu.memory_space<vmem>>, vector<16xf32>,
            %lt3A_1102 = arith.cmpf olt, %get3A_1101, %min3A_1035 : vector<16xf32>
            %min3A_1103 = arith.minimumf %min3A_1035, %get3A_1101 : vector<16xf32>
            %select_n3A_1104 = arith.select %lt3A_1102, %add3A_1064, %select_n3A_1036 : vector<16xi1>, vector<16xi32>
            %get3A_1105 = arith.constant 5 : i32
            %get3A_1106 = arith.index_cast %scan3A_566 : i32 to index
            %get3A_1107 = arith.index_cast %get3A_1105 : i32 to index
            %get3A_1108 = arith.constant 112 : index
            %get3A_1109 = tpu.vector_load %arg5[%get3A_1106, %get3A_1107, %get3A_1108] {strides = array<i32>} : memref<32x8x128xf32, #tpu.memory_space<vmem>>, vector<16xf32>,
            %lt3A_1110 = arith.cmpf olt, %get3A_1109, %min3A_1043 : vector<16xf32>
            %min3A_1111 = arith.minimumf %min3A_1043, %get3A_1109 : vector<16xf32>
            %select_n3A_1112 = arith.select %lt3A_1110, %add3A_1064, %select_n3A_1044 : vector<16xi1>, vector<16xi32>
            %get3A_1113 = arith.constant 6 : i32
            %get3A_1114 = arith.index_cast %scan3A_566 : i32 to index
            %get3A_1115 = arith.index_cast %get3A_1113 : i32 to index
            %get3A_1116 = arith.constant 112 : index
            %get3A_1117 = tpu.vector_load %arg5[%get3A_1114, %get3A_1115, %get3A_1116] {strides = array<i32>} : memref<32x8x128xf32, #tpu.memory_space<vmem>>, vector<16xf32>,
            %lt3A_1118 = arith.cmpf olt, %get3A_1117, %min3A_1051 : vector<16xf32>
            %min3A_1119 = arith.minimumf %min3A_1051, %get3A_1117 : vector<16xf32>
            %select_n3A_1120 = arith.select %lt3A_1118, %add3A_1064, %select_n3A_1052 : vector<16xi1>, vector<16xi32>
            %get3A_1121 = arith.constant 7 : i32
            %get3A_1122 = arith.index_cast %scan3A_566 : i32 to index
            %get3A_1123 = arith.index_cast %get3A_1121 : i32 to index
            %get3A_1124 = arith.constant 112 : index
            %get3A_1125 = tpu.vector_load %arg5[%get3A_1122, %get3A_1123, %get3A_1124] {strides = array<i32>} : memref<32x8x128xf32, #tpu.memory_space<vmem>>, vector<16xf32>,
            %lt3A_1126 = arith.cmpf olt, %get3A_1125, %min3A_1059 : vector<16xf32>
            %min3A_1127 = arith.minimumf %min3A_1059, %get3A_1125 : vector<16xf32>
            %select_n3A_1128 = arith.select %lt3A_1126, %add3A_1064, %select_n3A_1060 : vector<16xi1>, vector<16xi32>
            scf.yield %min3A_1071, %select_n3A_1072, %min3A_1079, %select_n3A_1080, %min3A_1087, %select_n3A_1088, %min3A_1095, %select_n3A_1096, %min3A_1103, %select_n3A_1104, %min3A_1111, %select_n3A_1112, %min3A_1119, %select_n3A_1120, %min3A_1127, %select_n3A_1128 : vector<16xf32>, vector<16xi32>, vector<16xf32>, vector<16xi32>, vector<16xf32>, vector<16xi32>, vector<16xf32>, vector<16xi32>, vector<16xf32>, vector<16xi32>, vector<16xf32>, vector<16xi32>, vector<16xf32>, vector<16xi32>, vector<16xf32>, vector<16xi32>
          }
          %scan3A_510 = arith.constant 32 : i32
          %add3A_511 = arith.constant 2 : i32
          %add3A_512 = arith.addi %add3A_486, %add3A_511 : i32
          %min3A_513 = arith.constant 15 : i32
          %min3A_514 = arith.minsi %add3A_512, %min3A_513 : i32
          %jit3A_515 = arith.constant 8 : i32
          %div3A_516 = arith.divsi %min3A_514, %jit3A_515 : i32
          %sign3A_517 = arith.constant 0 : i32
          %sign3A_518 = arith.cmpi sgt, %min3A_514, %sign3A_517 : i32
          %sign3A_519 = arith.extui %sign3A_518 : i1 to i32
          %sign3A_520 = arith.constant 0 : i32
          %sign3A_521 = arith.cmpi slt, %min3A_514, %sign3A_520 : i32
          %sign3A_522 = arith.extui %sign3A_521 : i1 to i32
          %sign3A_523 = arith.subi %sign3A_519, %sign3A_522 : i32
          %sign3A_524 = arith.constant 0 : i32
          %sign3A_525 = arith.cmpi sgt, %jit3A_515, %sign3A_524 : i32
          %sign3A_526 = arith.extui %sign3A_525 : i1 to i32
          %sign3A_527 = arith.constant 0 : i32
          %sign3A_528 = arith.cmpi slt, %jit3A_515, %sign3A_527 : i32
          %sign3A_529 = arith.extui %sign3A_528 : i1 to i32
          %sign3A_530 = arith.subi %sign3A_526, %sign3A_529 : i32
          %ne3A_531 = arith.cmpi ne, %sign3A_523, %sign3A_530 : i32
          %rem3A_532 = arith.remsi %min3A_514, %jit3A_515 : i32
          %ne3A_533 = arith.constant 0 : i32
          %ne3A_534 = arith.cmpi ne, %rem3A_532, %ne3A_533 : i32
          %and3A_535 = arith.andi %ne3A_531, %ne3A_534 : i1
          %sub3A_536 = arith.constant 1 : i32
          %sub3A_537 = arith.subi %div3A_516, %sub3A_536 : i32
          %select_n3A_538 = arith.select %and3A_535, %sub3A_537, %div3A_516 : i32
          %add3A_539 = arith.addi %mul3A_4, %select_n3A_538 : i32
          %jit3A_540 = arith.constant 8 : i32
          %eq3A_541 = arith.constant 0 : i32
          %eq3A_542 = arith.cmpi eq, %jit3A_540, %eq3A_541 : i32
          %jit3A_543 = arith.constant 1 : i32
          %select_n3A_544 = arith.select %eq3A_542, %jit3A_543, %jit3A_540 : i32
          %rem3A_545 = arith.remsi %min3A_514, %select_n3A_544 : i32
          %ne3A_546 = arith.constant 0 : i32
          %ne3A_547 = arith.cmpi ne, %rem3A_545, %ne3A_546 : i32
          %lt3A_548 = arith.constant 0 : i32
          %lt3A_549 = arith.cmpi slt, %rem3A_545, %lt3A_548 : i32
          %lt3A_550 = arith.constant 0 : i32
          %lt3A_551 = arith.cmpi slt, %select_n3A_544, %lt3A_550 : i32
          %ne3A_552 = arith.xori %lt3A_549, %lt3A_551 : i1
          %and3A_553 = arith.andi %ne3A_552, %ne3A_547 : i1
          %add3A_554 = arith.addi %rem3A_545, %select_n3A_544 : i32
          %select_n3A_555 = arith.select %and3A_553, %add3A_554, %rem3A_545 : i32
          %mul3A_556 = arith.constant 32 : i32
          %mul3A_557 = arith.muli %select_n3A_555, %mul3A_556 : i32
          %dma_start3A_558 = arith.constant 0 : i32
          %dma_start3A_559 = arith.constant 0 : i32
          %dma_start3A_560 = tpu.memref_slice %arg2[%add3A_539, %mul3A_557, %dma_start3A_558, %dma_start3A_559] : memref<128x256x8x128xf32, #tpu.memory_space<hbm>> -> memref<1x32x8x128xf32, #tpu.memory_space<hbm>>
          %dma_start3A_561 = tpu.memref_squeeze %dma_start3A_560 : memref<1x32x8x128xf32, #tpu.memory_space<hbm>> -> memref<32x8x128xf32, #tpu.memory_space<hbm>>
          %dma_start3A_562 = arith.constant 0 : i32
          %dma_start3A_563 = arith.constant 0 : i32
          %dma_start3A_564 = tpu.memref_slice %arg2[%add3A_539, %mul3A_557, %dma_start3A_562, %dma_start3A_563] : memref<128x256x8x128xf32, #tpu.memory_space<hbm>> -> memref<1x32x8x128xf32, #tpu.memory_space<hbm>>
          %dma_start3A_565 = tpu.memref_squeeze %dma_start3A_564 : memref<1x32x8x128xf32, #tpu.memory_space<hbm>> -> memref<32x8x128xf32, #tpu.memory_space<hbm>>
          tpu.enqueue_dma source(%dma_start3A_565 : memref<32x8x128xf32, #tpu.memory_space<hbm>>) target(%arg5 : memref<32x8x128xf32, #tpu.memory_space<vmem>>) target_semaphore(%arg8 : memref<!tpu.dma_semaphore, #tpu.memory_space<semaphore_mem>>)
          scf.yield %scan3A_509#0, %scan3A_509#1, %scan3A_509#2, %scan3A_509#3, %scan3A_509#4, %scan3A_509#5, %scan3A_509#6, %scan3A_509#7, %scan3A_509#8, %scan3A_509#9, %scan3A_509#10, %scan3A_509#11, %scan3A_509#12, %scan3A_509#13, %scan3A_509#14, %scan3A_509#15 : vector<16xf32>, vector<16xi32>, vector<16xf32>, vector<16xi32>, vector<16xf32>, vector<16xi32>, vector<16xf32>, vector<16xi32>, vector<16xf32>, vector<16xi32>, vector<16xf32>, vector<16xi32>, vector<16xf32>, vector<16xi32>, vector<16xf32>, vector<16xi32>
        }
        %scan3A_170 = arith.constant 4 : i32
        %rem3A_171 = arith.constant 2 : i32
        %rem3A_172 = arith.remsi %scan3A_131, %rem3A_171 : i32
        %reduce_min3A = arith.constant true
        %reduce_min3A_173 = vector.broadcast %reduce_min3A : i1 to vector<16xi1>
        %reduce_min3A_174 = tpu.scan <min>, %scan3A_169#0 masked %reduce_min3A_173 : vector<16xf32>, vector<16xi1> -> vector<16xf32>
        %reduce_min3A_175 = vector.extract %reduce_min3A_174[15] : f32 from vector<16xf32>
        %eq3A_176 = vector.broadcast %reduce_min3A_175 : f32 to vector<16xf32>
        %eq3A_177 = arith.cmpf oeq, %scan3A_169#0, %eq3A_176 : vector<16xf32>
        %jit3A_178 = arith.constant 2147483647 : i32
        %broadcast_in_dim3A_179 = vector.broadcast %jit3A_178 : i32 to vector<16xi32>
        %select_n3A_180 = arith.select %eq3A_177, %scan3A_169#1, %broadcast_in_dim3A_179 : vector<16xi1>, vector<16xi32>
        %reduce_min3A_181 = arith.constant true
        %reduce_min3A_182 = vector.broadcast %reduce_min3A_181 : i1 to vector<16xi1>
        %reduce_min3A_183 = arith.constant -2147483648 : i32
        %reduce_min3A_184 = vector.broadcast %reduce_min3A_183 : i32 to vector<16xi32>
        %reduce_min3A_185 = arith.xori %select_n3A_180, %reduce_min3A_184 : vector<16xi32>
        %reduce_min3A_186 = tpu.scan <min>, %reduce_min3A_185 masked %reduce_min3A_182 : vector<16xi32>, vector<16xi1> -> vector<16xi32>
        %reduce_min3A_187 = arith.xori %reduce_min3A_186, %reduce_min3A_184 : vector<16xi32>
        %reduce_min3A_188 = vector.extract %reduce_min3A_187[15] : i32 from vector<16xi32>
        %mul3A_189 = arith.constant 8 : i32
        %mul3A_190 = arith.muli %mul3A_189, %rem3A_172 : i32
        %add3A_191 = arith.constant 0 : i32
        %add3A_192 = arith.addi %mul3A_190, %add3A_191 : i32
        %eq3A_193 = vector.broadcast %add3A_192 : i32 to vector<16xi32>
        %eq3A_194 = arith.cmpi eq, %iota3A, %eq3A_193 : vector<16xi32>
        %broadcast_in_dim3A_195 = vector.broadcast %reduce_min3A_188 : i32 to vector<16xi32>
        %select_n3A_196 = arith.select %eq3A_194, %broadcast_in_dim3A_195, %scan3A_132 : vector<16xi1>, vector<16xi32>
        %reduce_min3A_197 = arith.constant true
        %reduce_min3A_198 = vector.broadcast %reduce_min3A_197 : i1 to vector<16xi1>
        %reduce_min3A_199 = tpu.scan <min>, %scan3A_169#2 masked %reduce_min3A_198 : vector<16xf32>, vector<16xi1> -> vector<16xf32>
        %reduce_min3A_200 = vector.extract %reduce_min3A_199[15] : f32 from vector<16xf32>
        %eq3A_201 = vector.broadcast %reduce_min3A_200 : f32 to vector<16xf32>
        %eq3A_202 = arith.cmpf oeq, %scan3A_169#2, %eq3A_201 : vector<16xf32>
        %jit3A_203 = arith.constant 2147483647 : i32
        %broadcast_in_dim3A_204 = vector.broadcast %jit3A_203 : i32 to vector<16xi32>
        %select_n3A_205 = arith.select %eq3A_202, %scan3A_169#3, %broadcast_in_dim3A_204 : vector<16xi1>, vector<16xi32>
        %reduce_min3A_206 = arith.constant true
        %reduce_min3A_207 = vector.broadcast %reduce_min3A_206 : i1 to vector<16xi1>
        %reduce_min3A_208 = arith.constant -2147483648 : i32
        %reduce_min3A_209 = vector.broadcast %reduce_min3A_208 : i32 to vector<16xi32>
        %reduce_min3A_210 = arith.xori %select_n3A_205, %reduce_min3A_209 : vector<16xi32>
        %reduce_min3A_211 = tpu.scan <min>, %reduce_min3A_210 masked %reduce_min3A_207 : vector<16xi32>, vector<16xi1> -> vector<16xi32>
        %reduce_min3A_212 = arith.xori %reduce_min3A_211, %reduce_min3A_209 : vector<16xi32>
        %reduce_min3A_213 = vector.extract %reduce_min3A_212[15] : i32 from vector<16xi32>
        %mul3A_214 = arith.constant 8 : i32
        %mul3A_215 = arith.muli %mul3A_214, %rem3A_172 : i32
        %add3A_216 = arith.constant 1 : i32
        %add3A_217 = arith.addi %mul3A_215, %add3A_216 : i32
        %eq3A_218 = vector.broadcast %add3A_217 : i32 to vector<16xi32>
        %eq3A_219 = arith.cmpi eq, %iota3A, %eq3A_218 : vector<16xi32>
        %broadcast_in_dim3A_220 = vector.broadcast %reduce_min3A_213 : i32 to vector<16xi32>
        %select_n3A_221 = arith.select %eq3A_219, %broadcast_in_dim3A_220, %select_n3A_196 : vector<16xi1>, vector<16xi32>
        %reduce_min3A_222 = arith.constant true
        %reduce_min3A_223 = vector.broadcast %reduce_min3A_222 : i1 to vector<16xi1>
        %reduce_min3A_224 = tpu.scan <min>, %scan3A_169#4 masked %reduce_min3A_223 : vector<16xf32>, vector<16xi1> -> vector<16xf32>
        %reduce_min3A_225 = vector.extract %reduce_min3A_224[15] : f32 from vector<16xf32>
        %eq3A_226 = vector.broadcast %reduce_min3A_225 : f32 to vector<16xf32>
        %eq3A_227 = arith.cmpf oeq, %scan3A_169#4, %eq3A_226 : vector<16xf32>
        %jit3A_228 = arith.constant 2147483647 : i32
        %broadcast_in_dim3A_229 = vector.broadcast %jit3A_228 : i32 to vector<16xi32>
        %select_n3A_230 = arith.select %eq3A_227, %scan3A_169#5, %broadcast_in_dim3A_229 : vector<16xi1>, vector<16xi32>
        %reduce_min3A_231 = arith.constant true
        %reduce_min3A_232 = vector.broadcast %reduce_min3A_231 : i1 to vector<16xi1>
        %reduce_min3A_233 = arith.constant -2147483648 : i32
        %reduce_min3A_234 = vector.broadcast %reduce_min3A_233 : i32 to vector<16xi32>
        %reduce_min3A_235 = arith.xori %select_n3A_230, %reduce_min3A_234 : vector<16xi32>
        %reduce_min3A_236 = tpu.scan <min>, %reduce_min3A_235 masked %reduce_min3A_232 : vector<16xi32>, vector<16xi1> -> vector<16xi32>
        %reduce_min3A_237 = arith.xori %reduce_min3A_236, %reduce_min3A_234 : vector<16xi32>
        %reduce_min3A_238 = vector.extract %reduce_min3A_237[15] : i32 from vector<16xi32>
        %mul3A_239 = arith.constant 8 : i32
        %mul3A_240 = arith.muli %mul3A_239, %rem3A_172 : i32
        %add3A_241 = arith.constant 2 : i32
        %add3A_242 = arith.addi %mul3A_240, %add3A_241 : i32
        %eq3A_243 = vector.broadcast %add3A_242 : i32 to vector<16xi32>
        %eq3A_244 = arith.cmpi eq, %iota3A, %eq3A_243 : vector<16xi32>
        %broadcast_in_dim3A_245 = vector.broadcast %reduce_min3A_238 : i32 to vector<16xi32>
        %select_n3A_246 = arith.select %eq3A_244, %broadcast_in_dim3A_245, %select_n3A_221 : vector<16xi1>, vector<16xi32>
        %reduce_min3A_247 = arith.constant true
        %reduce_min3A_248 = vector.broadcast %reduce_min3A_247 : i1 to vector<16xi1>
        %reduce_min3A_249 = tpu.scan <min>, %scan3A_169#6 masked %reduce_min3A_248 : vector<16xf32>, vector<16xi1> -> vector<16xf32>
        %reduce_min3A_250 = vector.extract %reduce_min3A_249[15] : f32 from vector<16xf32>
        %eq3A_251 = vector.broadcast %reduce_min3A_250 : f32 to vector<16xf32>
        %eq3A_252 = arith.cmpf oeq, %scan3A_169#6, %eq3A_251 : vector<16xf32>
        %jit3A_253 = arith.constant 2147483647 : i32
        %broadcast_in_dim3A_254 = vector.broadcast %jit3A_253 : i32 to vector<16xi32>
        %select_n3A_255 = arith.select %eq3A_252, %scan3A_169#7, %broadcast_in_dim3A_254 : vector<16xi1>, vector<16xi32>
        %reduce_min3A_256 = arith.constant true
        %reduce_min3A_257 = vector.broadcast %reduce_min3A_256 : i1 to vector<16xi1>
        %reduce_min3A_258 = arith.constant -2147483648 : i32
        %reduce_min3A_259 = vector.broadcast %reduce_min3A_258 : i32 to vector<16xi32>
        %reduce_min3A_260 = arith.xori %select_n3A_255, %reduce_min3A_259 : vector<16xi32>
        %reduce_min3A_261 = tpu.scan <min>, %reduce_min3A_260 masked %reduce_min3A_257 : vector<16xi32>, vector<16xi1> -> vector<16xi32>
        %reduce_min3A_262 = arith.xori %reduce_min3A_261, %reduce_min3A_259 : vector<16xi32>
        %reduce_min3A_263 = vector.extract %reduce_min3A_262[15] : i32 from vector<16xi32>
        %mul3A_264 = arith.constant 8 : i32
        %mul3A_265 = arith.muli %mul3A_264, %rem3A_172 : i32
        %add3A_266 = arith.constant 3 : i32
        %add3A_267 = arith.addi %mul3A_265, %add3A_266 : i32
        %eq3A_268 = vector.broadcast %add3A_267 : i32 to vector<16xi32>
        %eq3A_269 = arith.cmpi eq, %iota3A, %eq3A_268 : vector<16xi32>
        %broadcast_in_dim3A_270 = vector.broadcast %reduce_min3A_263 : i32 to vector<16xi32>
        %select_n3A_271 = arith.select %eq3A_269, %broadcast_in_dim3A_270, %select_n3A_246 : vector<16xi1>, vector<16xi32>
        %reduce_min3A_272 = arith.constant true
        %reduce_min3A_273 = vector.broadcast %reduce_min3A_272 : i1 to vector<16xi1>
        %reduce_min3A_274 = tpu.scan <min>, %scan3A_169#8 masked %reduce_min3A_273 : vector<16xf32>, vector<16xi1> -> vector<16xf32>
        %reduce_min3A_275 = vector.extract %reduce_min3A_274[15] : f32 from vector<16xf32>
        %eq3A_276 = vector.broadcast %reduce_min3A_275 : f32 to vector<16xf32>
        %eq3A_277 = arith.cmpf oeq, %scan3A_169#8, %eq3A_276 : vector<16xf32>
        %jit3A_278 = arith.constant 2147483647 : i32
        %broadcast_in_dim3A_279 = vector.broadcast %jit3A_278 : i32 to vector<16xi32>
        %select_n3A_280 = arith.select %eq3A_277, %scan3A_169#9, %broadcast_in_dim3A_279 : vector<16xi1>, vector<16xi32>
        %reduce_min3A_281 = arith.constant true
        %reduce_min3A_282 = vector.broadcast %reduce_min3A_281 : i1 to vector<16xi1>
        %reduce_min3A_283 = arith.constant -2147483648 : i32
        %reduce_min3A_284 = vector.broadcast %reduce_min3A_283 : i32 to vector<16xi32>
        %reduce_min3A_285 = arith.xori %select_n3A_280, %reduce_min3A_284 : vector<16xi32>
        %reduce_min3A_286 = tpu.scan <min>, %reduce_min3A_285 masked %reduce_min3A_282 : vector<16xi32>, vector<16xi1> -> vector<16xi32>
        %reduce_min3A_287 = arith.xori %reduce_min3A_286, %reduce_min3A_284 : vector<16xi32>
        %reduce_min3A_288 = vector.extract %reduce_min3A_287[15] : i32 from vector<16xi32>
        %mul3A_289 = arith.constant 8 : i32
        %mul3A_290 = arith.muli %mul3A_289, %rem3A_172 : i32
        %add3A_291 = arith.constant 4 : i32
        %add3A_292 = arith.addi %mul3A_290, %add3A_291 : i32
        %eq3A_293 = vector.broadcast %add3A_292 : i32 to vector<16xi32>
        %eq3A_294 = arith.cmpi eq, %iota3A, %eq3A_293 : vector<16xi32>
        %broadcast_in_dim3A_295 = vector.broadcast %reduce_min3A_288 : i32 to vector<16xi32>
        %select_n3A_296 = arith.select %eq3A_294, %broadcast_in_dim3A_295, %select_n3A_271 : vector<16xi1>, vector<16xi32>
        %reduce_min3A_297 = arith.constant true
        %reduce_min3A_298 = vector.broadcast %reduce_min3A_297 : i1 to vector<16xi1>
        %reduce_min3A_299 = tpu.scan <min>, %scan3A_169#10 masked %reduce_min3A_298 : vector<16xf32>, vector<16xi1> -> vector<16xf32>
        %reduce_min3A_300 = vector.extract %reduce_min3A_299[15] : f32 from vector<16xf32>
        %eq3A_301 = vector.broadcast %reduce_min3A_300 : f32 to vector<16xf32>
        %eq3A_302 = arith.cmpf oeq, %scan3A_169#10, %eq3A_301 : vector<16xf32>
        %jit3A_303 = arith.constant 2147483647 : i32
        %broadcast_in_dim3A_304 = vector.broadcast %jit3A_303 : i32 to vector<16xi32>
        %select_n3A_305 = arith.select %eq3A_302, %scan3A_169#11, %broadcast_in_dim3A_304 : vector<16xi1>, vector<16xi32>
        %reduce_min3A_306 = arith.constant true
        %reduce_min3A_307 = vector.broadcast %reduce_min3A_306 : i1 to vector<16xi1>
        %reduce_min3A_308 = arith.constant -2147483648 : i32
        %reduce_min3A_309 = vector.broadcast %reduce_min3A_308 : i32 to vector<16xi32>
        %reduce_min3A_310 = arith.xori %select_n3A_305, %reduce_min3A_309 : vector<16xi32>
        %reduce_min3A_311 = tpu.scan <min>, %reduce_min3A_310 masked %reduce_min3A_307 : vector<16xi32>, vector<16xi1> -> vector<16xi32>
        %reduce_min3A_312 = arith.xori %reduce_min3A_311, %reduce_min3A_309 : vector<16xi32>
        %reduce_min3A_313 = vector.extract %reduce_min3A_312[15] : i32 from vector<16xi32>
        %mul3A_314 = arith.constant 8 : i32
        %mul3A_315 = arith.muli %mul3A_314, %rem3A_172 : i32
        %add3A_316 = arith.constant 5 : i32
        %add3A_317 = arith.addi %mul3A_315, %add3A_316 : i32
        %eq3A_318 = vector.broadcast %add3A_317 : i32 to vector<16xi32>
        %eq3A_319 = arith.cmpi eq, %iota3A, %eq3A_318 : vector<16xi32>
        %broadcast_in_dim3A_320 = vector.broadcast %reduce_min3A_313 : i32 to vector<16xi32>
        %select_n3A_321 = arith.select %eq3A_319, %broadcast_in_dim3A_320, %select_n3A_296 : vector<16xi1>, vector<16xi32>
        %reduce_min3A_322 = arith.constant true
        %reduce_min3A_323 = vector.broadcast %reduce_min3A_322 : i1 to vector<16xi1>
        %reduce_min3A_324 = tpu.scan <min>, %scan3A_169#12 masked %reduce_min3A_323 : vector<16xf32>, vector<16xi1> -> vector<16xf32>
        %reduce_min3A_325 = vector.extract %reduce_min3A_324[15] : f32 from vector<16xf32>
        %eq3A_326 = vector.broadcast %reduce_min3A_325 : f32 to vector<16xf32>
        %eq3A_327 = arith.cmpf oeq, %scan3A_169#12, %eq3A_326 : vector<16xf32>
        %jit3A_328 = arith.constant 2147483647 : i32
        %broadcast_in_dim3A_329 = vector.broadcast %jit3A_328 : i32 to vector<16xi32>
        %select_n3A_330 = arith.select %eq3A_327, %scan3A_169#13, %broadcast_in_dim3A_329 : vector<16xi1>, vector<16xi32>
        %reduce_min3A_331 = arith.constant true
        %reduce_min3A_332 = vector.broadcast %reduce_min3A_331 : i1 to vector<16xi1>
        %reduce_min3A_333 = arith.constant -2147483648 : i32
        %reduce_min3A_334 = vector.broadcast %reduce_min3A_333 : i32 to vector<16xi32>
        %reduce_min3A_335 = arith.xori %select_n3A_330, %reduce_min3A_334 : vector<16xi32>
        %reduce_min3A_336 = tpu.scan <min>, %reduce_min3A_335 masked %reduce_min3A_332 : vector<16xi32>, vector<16xi1> -> vector<16xi32>
        %reduce_min3A_337 = arith.xori %reduce_min3A_336, %reduce_min3A_334 : vector<16xi32>
        %reduce_min3A_338 = vector.extract %reduce_min3A_337[15] : i32 from vector<16xi32>
        %mul3A_339 = arith.constant 8 : i32
        %mul3A_340 = arith.muli %mul3A_339, %rem3A_172 : i32
        %add3A_341 = arith.constant 6 : i32
        %add3A_342 = arith.addi %mul3A_340, %add3A_341 : i32
        %eq3A_343 = vector.broadcast %add3A_342 : i32 to vector<16xi32>
        %eq3A_344 = arith.cmpi eq, %iota3A, %eq3A_343 : vector<16xi32>
        %broadcast_in_dim3A_345 = vector.broadcast %reduce_min3A_338 : i32 to vector<16xi32>
        %select_n3A_346 = arith.select %eq3A_344, %broadcast_in_dim3A_345, %select_n3A_321 : vector<16xi1>, vector<16xi32>
        %reduce_min3A_347 = arith.constant true
        %reduce_min3A_348 = vector.broadcast %reduce_min3A_347 : i1 to vector<16xi1>
        %reduce_min3A_349 = tpu.scan <min>, %scan3A_169#14 masked %reduce_min3A_348 : vector<16xf32>, vector<16xi1> -> vector<16xf32>
        %reduce_min3A_350 = vector.extract %reduce_min3A_349[15] : f32 from vector<16xf32>
        %eq3A_351 = vector.broadcast %reduce_min3A_350 : f32 to vector<16xf32>
        %eq3A_352 = arith.cmpf oeq, %scan3A_169#14, %eq3A_351 : vector<16xf32>
        %jit3A_353 = arith.constant 2147483647 : i32
        %broadcast_in_dim3A_354 = vector.broadcast %jit3A_353 : i32 to vector<16xi32>
        %select_n3A_355 = arith.select %eq3A_352, %scan3A_169#15, %broadcast_in_dim3A_354 : vector<16xi1>, vector<16xi32>
        %reduce_min3A_356 = arith.constant true
        %reduce_min3A_357 = vector.broadcast %reduce_min3A_356 : i1 to vector<16xi1>
        %reduce_min3A_358 = arith.constant -2147483648 : i32
        %reduce_min3A_359 = vector.broadcast %reduce_min3A_358 : i32 to vector<16xi32>
        %reduce_min3A_360 = arith.xori %select_n3A_355, %reduce_min3A_359 : vector<16xi32>
        %reduce_min3A_361 = tpu.scan <min>, %reduce_min3A_360 masked %reduce_min3A_357 : vector<16xi32>, vector<16xi1> -> vector<16xi32>
        %reduce_min3A_362 = arith.xori %reduce_min3A_361, %reduce_min3A_359 : vector<16xi32>
        %reduce_min3A_363 = vector.extract %reduce_min3A_362[15] : i32 from vector<16xi32>
        %mul3A_364 = arith.constant 8 : i32
        %mul3A_365 = arith.muli %mul3A_364, %rem3A_172 : i32
        %add3A_366 = arith.constant 7 : i32
        %add3A_367 = arith.addi %mul3A_365, %add3A_366 : i32
        %eq3A_368 = vector.broadcast %add3A_367 : i32 to vector<16xi32>
        %eq3A_369 = arith.cmpi eq, %iota3A, %eq3A_368 : vector<16xi32>
        %broadcast_in_dim3A_370 = vector.broadcast %reduce_min3A_363 : i32 to vector<16xi32>
        %select_n3A_371 = arith.select %eq3A_369, %broadcast_in_dim3A_370, %select_n3A_346 : vector<16xi1>, vector<16xi32>
        %eq3A_372 = arith.constant 1 : i32
        %eq3A_373 = arith.cmpi eq, %rem3A_172, %eq3A_372 : i32
        %convert_element_type3A_374 = arith.extui %eq3A_373 : i1 to i32
        %cond3A_375 = arith.constant 0 : i32
        %cond3A_376 = arith.cmpi ne, %convert_element_type3A_374, %cond3A_375 : i32
        scf.if %cond3A_376 {
          %div3A_377 = arith.constant 2 : i32
          %div3A_378 = arith.divsi %scan3A_131, %div3A_377 : i32
          %swap3A = arith.constant 0 : i32
          %swap3A_379 = arith.index_cast %div3A_378 : i32 to index
          %swap3A_380 = arith.index_cast %swap3A : i32 to index
          %swap3A_381 = arith.constant 0 : index
          %swap3A_382 = tpu.vector_load %arg6[%swap3A_379, %swap3A_380, %swap3A_381] {strides = array<i32>} : memref<1x1x16xi32, #tpu.memory_space<vmem>>, vector<16xi32>,
          tpu.vector_store %arg6[%swap3A_379, %swap3A_380, %swap3A_381], %select_n3A_371 {strides = array<i32>} : memref<1x1x16xi32, #tpu.memory_space<vmem>>, vector<16xi32>,
        } else {
        }
        scf.yield %select_n3A_371 : vector<16xi32>
      }
      %scan3A_107 = arith.constant 2 : i32
      %dma_wait3A = arith.constant 0 : i32
      %dma_wait3A_108 = arith.constant 0 : i32
      %dma_wait3A_109 = arith.constant 0 : i32
      %dma_wait3A_110 = arith.constant 0 : i32
      %dma_wait3A_111 = tpu.memref_slice %arg2[%dma_wait3A, %dma_wait3A_108, %dma_wait3A_109, %dma_wait3A_110] : memref<128x256x8x128xf32, #tpu.memory_space<hbm>> -> memref<1x32x8x128xf32, #tpu.memory_space<hbm>>
      %dma_wait3A_112 = tpu.memref_squeeze %dma_wait3A_111 : memref<1x32x8x128xf32, #tpu.memory_space<hbm>> -> memref<32x8x128xf32, #tpu.memory_space<hbm>>
      %dma_wait3A_113 = arith.constant 0 : i32
      %dma_wait3A_114 = arith.constant 0 : i32
      %dma_wait3A_115 = arith.constant 0 : i32
      %dma_wait3A_116 = tpu.memref_slice %arg2[%dma_wait3A, %dma_wait3A_113, %dma_wait3A_114, %dma_wait3A_115] : memref<128x256x8x128xf32, #tpu.memory_space<hbm>> -> memref<1x32x8x128xf32, #tpu.memory_space<hbm>>
      %dma_wait3A_117 = tpu.memref_squeeze %dma_wait3A_116 : memref<1x32x8x128xf32, #tpu.memory_space<hbm>> -> memref<32x8x128xf32, #tpu.memory_space<hbm>>
      tpu.wait_dma2 semaphore(%arg7 : memref<!tpu.dma_semaphore, #tpu.memory_space<semaphore_mem>>) src(%dma_wait3A_117 : memref<32x8x128xf32, #tpu.memory_space<hbm>>) dst(%arg4 : memref<32x8x128xf32, #tpu.memory_space<vmem>>)
      %dma_wait3A_118 = arith.constant 0 : i32
      %dma_wait3A_119 = arith.constant 0 : i32
      %dma_wait3A_120 = arith.constant 0 : i32
      %dma_wait3A_121 = arith.constant 0 : i32
      %dma_wait3A_122 = tpu.memref_slice %arg2[%dma_wait3A_118, %dma_wait3A_119, %dma_wait3A_120, %dma_wait3A_121] : memref<128x256x8x128xf32, #tpu.memory_space<hbm>> -> memref<1x32x8x128xf32, #tpu.memory_space<hbm>>
      %dma_wait3A_123 = tpu.memref_squeeze %dma_wait3A_122 : memref<1x32x8x128xf32, #tpu.memory_space<hbm>> -> memref<32x8x128xf32, #tpu.memory_space<hbm>>
      %dma_wait3A_124 = arith.constant 0 : i32
      %dma_wait3A_125 = arith.constant 0 : i32
      %dma_wait3A_126 = arith.constant 0 : i32
      %dma_wait3A_127 = tpu.memref_slice %arg2[%dma_wait3A_118, %dma_wait3A_124, %dma_wait3A_125, %dma_wait3A_126] : memref<128x256x8x128xf32, #tpu.memory_space<hbm>> -> memref<1x32x8x128xf32, #tpu.memory_space<hbm>>
      %dma_wait3A_128 = tpu.memref_squeeze %dma_wait3A_127 : memref<1x32x8x128xf32, #tpu.memory_space<hbm>> -> memref<32x8x128xf32, #tpu.memory_space<hbm>>
      tpu.wait_dma2 semaphore(%arg8 : memref<!tpu.dma_semaphore, #tpu.memory_space<semaphore_mem>>) src(%dma_wait3A_128 : memref<32x8x128xf32, #tpu.memory_space<hbm>>) dst(%arg5 : memref<32x8x128xf32, #tpu.memory_space<vmem>>)
      %mul3A_129 = arith.constant 1 : i32
      %mul3A_130 = arith.muli %add3A, %mul3A_129 : i32
      "tpu.region"() ({
        %run_scoped3A = tpu.sem_alloc : memref<!tpu.dma_semaphore, #tpu.memory_space<semaphore_mem>>
        %dma_start3A_131 = arith.constant 0 : i32
        %dma_start3A_132 = arith.constant 0 : i32
        %dma_start3A_133 = tpu.memref_slice %arg3[%mul3A_130, %dma_start3A_131, %dma_start3A_132] : memref<20x1x16xi32, #tpu.memory_space<hbm>> -> memref<1x1x16xi32, #tpu.memory_space<hbm>>
        %dma_start3A_134 = arith.constant 0 : i32
        %dma_start3A_135 = arith.constant 0 : i32
        %dma_start3A_136 = tpu.memref_slice %arg3[%mul3A_130, %dma_start3A_134, %dma_start3A_135] : memref<20x1x16xi32, #tpu.memory_space<hbm>> -> memref<1x1x16xi32, #tpu.memory_space<hbm>>
        tpu.enqueue_dma source(%arg6 : memref<1x1x16xi32, #tpu.memory_space<vmem>>) target(%dma_start3A_136 : memref<1x1x16xi32, #tpu.memory_space<hbm>>) target_semaphore(%run_scoped3A : memref<!tpu.dma_semaphore, #tpu.memory_space<semaphore_mem>>)
        %dma_wait3A_137 = arith.constant 0 : i32
        %dma_wait3A_138 = arith.constant 0 : i32
        %dma_wait3A_139 = tpu.memref_slice %arg3[%mul3A_130, %dma_wait3A_137, %dma_wait3A_138] : memref<20x1x16xi32, #tpu.memory_space<hbm>> -> memref<1x1x16xi32, #tpu.memory_space<hbm>>
        %dma_wait3A_140 = arith.constant 0 : i32
        %dma_wait3A_141 = arith.constant 0 : i32
        %dma_wait3A_142 = tpu.memref_slice %arg3[%mul3A_130, %dma_wait3A_140, %dma_wait3A_141] : memref<20x1x16xi32, #tpu.memory_space<hbm>> -> memref<1x1x16xi32, #tpu.memory_space<hbm>>
        tpu.wait_dma2 semaphore(%run_scoped3A : memref<!tpu.dma_semaphore, #tpu.memory_space<semaphore_mem>>) src(%arg6 : memref<1x1x16xi32, #tpu.memory_space<vmem>>) dst(%dma_wait3A_142 : memref<1x1x16xi32, #tpu.memory_space<hbm>>)
        tpu.yield
      }) : () -> ()
    } else {
    }
    return
  }
}

module attributes {stable_mosaic.version = 14 : i64} {
  func.func @_tc_body(%arg0: i32, %arg1: memref<8x256x8x128xf32, #tpu.memory_space<vmem>>, %arg2: memref<4x1x2x8xi32, #tpu.memory_space<vmem>>) attributes {dimension_semantics = [#tpu.dimension_semantics<arbitrary>], iteration_bounds = array<i64: 11>, scalar_prefetch = 0 : i64, scratch_operands = 0 : i64, tpu.core_type = #tpu.core_type<tc>, window_params = [{transform_indices = @transform_0, window_bounds = array<i64: 8, 256, 8, 128>}, {transform_indices = @transform_1, window_bounds = array<i64: 4, 1, 2, 8>}]} {
    %get3A = arith.constant 0 : index
    %get3A_0 = arith.constant 0 : index
    %get3A_1 = arith.constant 0 : index
    %get3A_2 = arith.constant 0 : index
    %get3A_3 = vector.load %arg1[%get3A, %get3A_0, %get3A_1, %get3A_2] : memref<8x256x8x128xf32, #tpu.memory_space<vmem>>, vector<1x256x8x128xf32>
    %get3A_4 = vector.shape_cast %get3A_3 : vector<1x256x8x128xf32> to vector<256x8x128xf32>
    %reduce_min3A = arith.constant dense<0x7F800000> : vector<8x128xf32>
    %reduce_min3A_5 = vector.multi_reduction <minimumf>, %get3A_4, %reduce_min3A [0] : vector<256x8x128xf32> to vector<8x128xf32>
    %iota3A = tpu.iota {dimensions = array<i32: 0>} : vector<256x8x128xi32>
    %broadcast_in_dim3A = vector.shape_cast %reduce_min3A_5 : vector<8x128xf32> to vector<1x8x128xf32>
    %eq3A = vector.broadcast %broadcast_in_dim3A : vector<1x8x128xf32> to vector<256x8x128xf32>
    %eq3A_6 = arith.cmpf oeq, %get3A_4, %eq3A : vector<256x8x128xf32>
    %jit3A = arith.constant 2147483647 : i32
    %broadcast_in_dim3A_7 = vector.broadcast %jit3A : i32 to vector<256x8x128xi32>
    %select_n3A = arith.select %eq3A_6, %iota3A, %broadcast_in_dim3A_7 : vector<256x8x128xi1>, vector<256x8x128xi32>
    %reduce_min3A_8 = arith.constant dense<2147483647> : vector<8x128xi32>
    %reduce_min3A_9 = vector.multi_reduction <minsi>, %select_n3A, %reduce_min3A_8 [0] : vector<256x8x128xi32> to vector<8x128xi32>
    %reduce_min3A_10 = arith.constant dense<0x7F800000> : vector<8xf32>
    %reduce_min3A_11 = vector.multi_reduction <minimumf>, %reduce_min3A_5, %reduce_min3A_10 [1] : vector<8x128xf32> to vector<8xf32>
    %broadcast_in_dim3A_12 = vector.shape_cast %reduce_min3A_11 : vector<8xf32> to vector<8x1xf32>
    %iota3A_13 = tpu.iota {dimensions = array<i32: 1>} : vector<8x128xi32>
    %eq3A_14 = vector.broadcast %broadcast_in_dim3A_12 : vector<8x1xf32> to vector<8x128xf32>
    %eq3A_15 = arith.cmpf oeq, %reduce_min3A_5, %eq3A_14 : vector<8x128xf32>
    %mul3A = arith.constant 128 : i32
    %mul3A_16 = vector.broadcast %mul3A : i32 to vector<8x128xi32>
    %mul3A_17 = arith.muli %reduce_min3A_9, %mul3A_16 : vector<8x128xi32>
    %add3A = arith.addi %mul3A_17, %iota3A_13 : vector<8x128xi32>
    %jit3A_18 = arith.constant 2147483647 : i32
    %broadcast_in_dim3A_19 = vector.broadcast %jit3A_18 : i32 to vector<8x128xi32>
    %select_n3A_20 = arith.select %eq3A_15, %add3A, %broadcast_in_dim3A_19 : vector<8x128xi1>, vector<8x128xi32>
    %reduce_min3A_21 = arith.constant dense<2147483647> : vector<8xi32>
    %reduce_min3A_22 = vector.multi_reduction <minsi>, %select_n3A_20, %reduce_min3A_21 [1] : vector<8x128xi32> to vector<8xi32>
    %swap3A = arith.constant 0 : index
    %swap3A_23 = arith.constant 0 : index
    %swap3A_24 = arith.constant 0 : index
    %swap3A_25 = arith.constant 0 : index
    %swap3A_26 = vector.load %arg2[%swap3A, %swap3A_23, %swap3A_24, %swap3A_25] : memref<4x1x2x8xi32, #tpu.memory_space<vmem>>, vector<1x1x1x8xi32>
    %swap3A_27 = vector.shape_cast %swap3A_26 : vector<1x1x1x8xi32> to vector<8xi32>
    %swap3A_28 = vector.shape_cast %reduce_min3A_22 : vector<8xi32> to vector<1x1x1x8xi32>
    tpu.vector_store %arg2[%swap3A, %swap3A_23, %swap3A_24, %swap3A_25], %swap3A_28 {strides = array<i32>} : memref<4x1x2x8xi32, #tpu.memory_space<vmem>>, vector<1x1x1x8xi32>,
    %get3A_29 = arith.constant 1 : index
    %get3A_30 = arith.constant 0 : index
    %get3A_31 = arith.constant 0 : index
    %get3A_32 = arith.constant 0 : index
    %get3A_33 = vector.load %arg1[%get3A_29, %get3A_30, %get3A_31, %get3A_32] : memref<8x256x8x128xf32, #tpu.memory_space<vmem>>, vector<1x256x8x128xf32>
    %get3A_34 = vector.shape_cast %get3A_33 : vector<1x256x8x128xf32> to vector<256x8x128xf32>
    %reduce_min3A_35 = arith.constant dense<0x7F800000> : vector<8x128xf32>
    %reduce_min3A_36 = vector.multi_reduction <minimumf>, %get3A_34, %reduce_min3A_35 [0] : vector<256x8x128xf32> to vector<8x128xf32>
    %iota3A_37 = tpu.iota {dimensions = array<i32: 0>} : vector<256x8x128xi32>
    %broadcast_in_dim3A_38 = vector.shape_cast %reduce_min3A_36 : vector<8x128xf32> to vector<1x8x128xf32>
    %eq3A_39 = vector.broadcast %broadcast_in_dim3A_38 : vector<1x8x128xf32> to vector<256x8x128xf32>
    %eq3A_40 = arith.cmpf oeq, %get3A_34, %eq3A_39 : vector<256x8x128xf32>
    %jit3A_41 = arith.constant 2147483647 : i32
    %broadcast_in_dim3A_42 = vector.broadcast %jit3A_41 : i32 to vector<256x8x128xi32>
    %select_n3A_43 = arith.select %eq3A_40, %iota3A_37, %broadcast_in_dim3A_42 : vector<256x8x128xi1>, vector<256x8x128xi32>
    %reduce_min3A_44 = arith.constant dense<2147483647> : vector<8x128xi32>
    %reduce_min3A_45 = vector.multi_reduction <minsi>, %select_n3A_43, %reduce_min3A_44 [0] : vector<256x8x128xi32> to vector<8x128xi32>
    %reduce_min3A_46 = arith.constant dense<0x7F800000> : vector<8xf32>
    %reduce_min3A_47 = vector.multi_reduction <minimumf>, %reduce_min3A_36, %reduce_min3A_46 [1] : vector<8x128xf32> to vector<8xf32>
    %broadcast_in_dim3A_48 = vector.shape_cast %reduce_min3A_47 : vector<8xf32> to vector<8x1xf32>
    %iota3A_49 = tpu.iota {dimensions = array<i32: 1>} : vector<8x128xi32>
    %eq3A_50 = vector.broadcast %broadcast_in_dim3A_48 : vector<8x1xf32> to vector<8x128xf32>
    %eq3A_51 = arith.cmpf oeq, %reduce_min3A_36, %eq3A_50 : vector<8x128xf32>
    %mul3A_52 = arith.constant 128 : i32
    %mul3A_53 = vector.broadcast %mul3A_52 : i32 to vector<8x128xi32>
    %mul3A_54 = arith.muli %reduce_min3A_45, %mul3A_53 : vector<8x128xi32>
    %add3A_55 = arith.addi %mul3A_54, %iota3A_49 : vector<8x128xi32>
    %jit3A_56 = arith.constant 2147483647 : i32
    %broadcast_in_dim3A_57 = vector.broadcast %jit3A_56 : i32 to vector<8x128xi32>
    %select_n3A_58 = arith.select %eq3A_51, %add3A_55, %broadcast_in_dim3A_57 : vector<8x128xi1>, vector<8x128xi32>
    %reduce_min3A_59 = arith.constant dense<2147483647> : vector<8xi32>
    %reduce_min3A_60 = vector.multi_reduction <minsi>, %select_n3A_58, %reduce_min3A_59 [1] : vector<8x128xi32> to vector<8xi32>
    %swap3A_61 = arith.constant 0 : index
    %swap3A_62 = arith.constant 0 : index
    %swap3A_63 = arith.constant 1 : index
    %swap3A_64 = arith.constant 0 : index
    %swap3A_65 = vector.load %arg2[%swap3A_61, %swap3A_62, %swap3A_63, %swap3A_64] : memref<4x1x2x8xi32, #tpu.memory_space<vmem>>, vector<1x1x1x8xi32>
    %swap3A_66 = vector.shape_cast %swap3A_65 : vector<1x1x1x8xi32> to vector<8xi32>
    %swap3A_67 = vector.shape_cast %reduce_min3A_60 : vector<8xi32> to vector<1x1x1x8xi32>
    tpu.vector_store %arg2[%swap3A_61, %swap3A_62, %swap3A_63, %swap3A_64], %swap3A_67 {strides = array<i32>} : memref<4x1x2x8xi32, #tpu.memory_space<vmem>>, vector<1x1x1x8xi32>,
    %get3A_68 = arith.constant 2 : index
    %get3A_69 = arith.constant 0 : index
    %get3A_70 = arith.constant 0 : index
    %get3A_71 = arith.constant 0 : index
    %get3A_72 = vector.load %arg1[%get3A_68, %get3A_69, %get3A_70, %get3A_71] : memref<8x256x8x128xf32, #tpu.memory_space<vmem>>, vector<1x256x8x128xf32>
    %get3A_73 = vector.shape_cast %get3A_72 : vector<1x256x8x128xf32> to vector<256x8x128xf32>
    %reduce_min3A_74 = arith.constant dense<0x7F800000> : vector<8x128xf32>
    %reduce_min3A_75 = vector.multi_reduction <minimumf>, %get3A_73, %reduce_min3A_74 [0] : vector<256x8x128xf32> to vector<8x128xf32>
    %iota3A_76 = tpu.iota {dimensions = array<i32: 0>} : vector<256x8x128xi32>
    %broadcast_in_dim3A_77 = vector.shape_cast %reduce_min3A_75 : vector<8x128xf32> to vector<1x8x128xf32>
    %eq3A_78 = vector.broadcast %broadcast_in_dim3A_77 : vector<1x8x128xf32> to vector<256x8x128xf32>
    %eq3A_79 = arith.cmpf oeq, %get3A_73, %eq3A_78 : vector<256x8x128xf32>
    %jit3A_80 = arith.constant 2147483647 : i32
    %broadcast_in_dim3A_81 = vector.broadcast %jit3A_80 : i32 to vector<256x8x128xi32>
    %select_n3A_82 = arith.select %eq3A_79, %iota3A_76, %broadcast_in_dim3A_81 : vector<256x8x128xi1>, vector<256x8x128xi32>
    %reduce_min3A_83 = arith.constant dense<2147483647> : vector<8x128xi32>
    %reduce_min3A_84 = vector.multi_reduction <minsi>, %select_n3A_82, %reduce_min3A_83 [0] : vector<256x8x128xi32> to vector<8x128xi32>
    %reduce_min3A_85 = arith.constant dense<0x7F800000> : vector<8xf32>
    %reduce_min3A_86 = vector.multi_reduction <minimumf>, %reduce_min3A_75, %reduce_min3A_85 [1] : vector<8x128xf32> to vector<8xf32>
    %broadcast_in_dim3A_87 = vector.shape_cast %reduce_min3A_86 : vector<8xf32> to vector<8x1xf32>
    %iota3A_88 = tpu.iota {dimensions = array<i32: 1>} : vector<8x128xi32>
    %eq3A_89 = vector.broadcast %broadcast_in_dim3A_87 : vector<8x1xf32> to vector<8x128xf32>
    %eq3A_90 = arith.cmpf oeq, %reduce_min3A_75, %eq3A_89 : vector<8x128xf32>
    %mul3A_91 = arith.constant 128 : i32
    %mul3A_92 = vector.broadcast %mul3A_91 : i32 to vector<8x128xi32>
    %mul3A_93 = arith.muli %reduce_min3A_84, %mul3A_92 : vector<8x128xi32>
    %add3A_94 = arith.addi %mul3A_93, %iota3A_88 : vector<8x128xi32>
    %jit3A_95 = arith.constant 2147483647 : i32
    %broadcast_in_dim3A_96 = vector.broadcast %jit3A_95 : i32 to vector<8x128xi32>
    %select_n3A_97 = arith.select %eq3A_90, %add3A_94, %broadcast_in_dim3A_96 : vector<8x128xi1>, vector<8x128xi32>
    %reduce_min3A_98 = arith.constant dense<2147483647> : vector<8xi32>
    %reduce_min3A_99 = vector.multi_reduction <minsi>, %select_n3A_97, %reduce_min3A_98 [1] : vector<8x128xi32> to vector<8xi32>
    %swap3A_100 = arith.constant 1 : index
    %swap3A_101 = arith.constant 0 : index
    %swap3A_102 = arith.constant 0 : index
    %swap3A_103 = arith.constant 0 : index
    %swap3A_104 = vector.load %arg2[%swap3A_100, %swap3A_101, %swap3A_102, %swap3A_103] : memref<4x1x2x8xi32, #tpu.memory_space<vmem>>, vector<1x1x1x8xi32>
    %swap3A_105 = vector.shape_cast %swap3A_104 : vector<1x1x1x8xi32> to vector<8xi32>
    %swap3A_106 = vector.shape_cast %reduce_min3A_99 : vector<8xi32> to vector<1x1x1x8xi32>
    tpu.vector_store %arg2[%swap3A_100, %swap3A_101, %swap3A_102, %swap3A_103], %swap3A_106 {strides = array<i32>} : memref<4x1x2x8xi32, #tpu.memory_space<vmem>>, vector<1x1x1x8xi32>,
    %get3A_107 = arith.constant 3 : index
    %get3A_108 = arith.constant 0 : index
    %get3A_109 = arith.constant 0 : index
    %get3A_110 = arith.constant 0 : index
    %get3A_111 = vector.load %arg1[%get3A_107, %get3A_108, %get3A_109, %get3A_110] : memref<8x256x8x128xf32, #tpu.memory_space<vmem>>, vector<1x256x8x128xf32>
    %get3A_112 = vector.shape_cast %get3A_111 : vector<1x256x8x128xf32> to vector<256x8x128xf32>
    %reduce_min3A_113 = arith.constant dense<0x7F800000> : vector<8x128xf32>
    %reduce_min3A_114 = vector.multi_reduction <minimumf>, %get3A_112, %reduce_min3A_113 [0] : vector<256x8x128xf32> to vector<8x128xf32>
    %iota3A_115 = tpu.iota {dimensions = array<i32: 0>} : vector<256x8x128xi32>
    %broadcast_in_dim3A_116 = vector.shape_cast %reduce_min3A_114 : vector<8x128xf32> to vector<1x8x128xf32>
    %eq3A_117 = vector.broadcast %broadcast_in_dim3A_116 : vector<1x8x128xf32> to vector<256x8x128xf32>
    %eq3A_118 = arith.cmpf oeq, %get3A_112, %eq3A_117 : vector<256x8x128xf32>
    %jit3A_119 = arith.constant 2147483647 : i32
    %broadcast_in_dim3A_120 = vector.broadcast %jit3A_119 : i32 to vector<256x8x128xi32>
    %select_n3A_121 = arith.select %eq3A_118, %iota3A_115, %broadcast_in_dim3A_120 : vector<256x8x128xi1>, vector<256x8x128xi32>
    %reduce_min3A_122 = arith.constant dense<2147483647> : vector<8x128xi32>
    %reduce_min3A_123 = vector.multi_reduction <minsi>, %select_n3A_121, %reduce_min3A_122 [0] : vector<256x8x128xi32> to vector<8x128xi32>
    %reduce_min3A_124 = arith.constant dense<0x7F800000> : vector<8xf32>
    %reduce_min3A_125 = vector.multi_reduction <minimumf>, %reduce_min3A_114, %reduce_min3A_124 [1] : vector<8x128xf32> to vector<8xf32>
    %broadcast_in_dim3A_126 = vector.shape_cast %reduce_min3A_125 : vector<8xf32> to vector<8x1xf32>
    %iota3A_127 = tpu.iota {dimensions = array<i32: 1>} : vector<8x128xi32>
    %eq3A_128 = vector.broadcast %broadcast_in_dim3A_126 : vector<8x1xf32> to vector<8x128xf32>
    %eq3A_129 = arith.cmpf oeq, %reduce_min3A_114, %eq3A_128 : vector<8x128xf32>
    %mul3A_130 = arith.constant 128 : i32
    %mul3A_131 = vector.broadcast %mul3A_130 : i32 to vector<8x128xi32>
    %mul3A_132 = arith.muli %reduce_min3A_123, %mul3A_131 : vector<8x128xi32>
    %add3A_133 = arith.addi %mul3A_132, %iota3A_127 : vector<8x128xi32>
    %jit3A_134 = arith.constant 2147483647 : i32
    %broadcast_in_dim3A_135 = vector.broadcast %jit3A_134 : i32 to vector<8x128xi32>
    %select_n3A_136 = arith.select %eq3A_129, %add3A_133, %broadcast_in_dim3A_135 : vector<8x128xi1>, vector<8x128xi32>
    %reduce_min3A_137 = arith.constant dense<2147483647> : vector<8xi32>
    %reduce_min3A_138 = vector.multi_reduction <minsi>, %select_n3A_136, %reduce_min3A_137 [1] : vector<8x128xi32> to vector<8xi32>
    %swap3A_139 = arith.constant 1 : index
    %swap3A_140 = arith.constant 0 : index
    %swap3A_141 = arith.constant 1 : index
    %swap3A_142 = arith.constant 0 : index
    %swap3A_143 = vector.load %arg2[%swap3A_139, %swap3A_140, %swap3A_141, %swap3A_142] : memref<4x1x2x8xi32, #tpu.memory_space<vmem>>, vector<1x1x1x8xi32>
    %swap3A_144 = vector.shape_cast %swap3A_143 : vector<1x1x1x8xi32> to vector<8xi32>
    %swap3A_145 = vector.shape_cast %reduce_min3A_138 : vector<8xi32> to vector<1x1x1x8xi32>
    tpu.vector_store %arg2[%swap3A_139, %swap3A_140, %swap3A_141, %swap3A_142], %swap3A_145 {strides = array<i32>} : memref<4x1x2x8xi32, #tpu.memory_space<vmem>>, vector<1x1x1x8xi32>,
    %get3A_146 = arith.constant 4 : index
    %get3A_147 = arith.constant 0 : index
    %get3A_148 = arith.constant 0 : index
    %get3A_149 = arith.constant 0 : index
    %get3A_150 = vector.load %arg1[%get3A_146, %get3A_147, %get3A_148, %get3A_149] : memref<8x256x8x128xf32, #tpu.memory_space<vmem>>, vector<1x256x8x128xf32>
    %get3A_151 = vector.shape_cast %get3A_150 : vector<1x256x8x128xf32> to vector<256x8x128xf32>
    %reduce_min3A_152 = arith.constant dense<0x7F800000> : vector<8x128xf32>
    %reduce_min3A_153 = vector.multi_reduction <minimumf>, %get3A_151, %reduce_min3A_152 [0] : vector<256x8x128xf32> to vector<8x128xf32>
    %iota3A_154 = tpu.iota {dimensions = array<i32: 0>} : vector<256x8x128xi32>
    %broadcast_in_dim3A_155 = vector.shape_cast %reduce_min3A_153 : vector<8x128xf32> to vector<1x8x128xf32>
    %eq3A_156 = vector.broadcast %broadcast_in_dim3A_155 : vector<1x8x128xf32> to vector<256x8x128xf32>
    %eq3A_157 = arith.cmpf oeq, %get3A_151, %eq3A_156 : vector<256x8x128xf32>
    %jit3A_158 = arith.constant 2147483647 : i32
    %broadcast_in_dim3A_159 = vector.broadcast %jit3A_158 : i32 to vector<256x8x128xi32>
    %select_n3A_160 = arith.select %eq3A_157, %iota3A_154, %broadcast_in_dim3A_159 : vector<256x8x128xi1>, vector<256x8x128xi32>
    %reduce_min3A_161 = arith.constant dense<2147483647> : vector<8x128xi32>
    %reduce_min3A_162 = vector.multi_reduction <minsi>, %select_n3A_160, %reduce_min3A_161 [0] : vector<256x8x128xi32> to vector<8x128xi32>
    %reduce_min3A_163 = arith.constant dense<0x7F800000> : vector<8xf32>
    %reduce_min3A_164 = vector.multi_reduction <minimumf>, %reduce_min3A_153, %reduce_min3A_163 [1] : vector<8x128xf32> to vector<8xf32>
    %broadcast_in_dim3A_165 = vector.shape_cast %reduce_min3A_164 : vector<8xf32> to vector<8x1xf32>
    %iota3A_166 = tpu.iota {dimensions = array<i32: 1>} : vector<8x128xi32>
    %eq3A_167 = vector.broadcast %broadcast_in_dim3A_165 : vector<8x1xf32> to vector<8x128xf32>
    %eq3A_168 = arith.cmpf oeq, %reduce_min3A_153, %eq3A_167 : vector<8x128xf32>
    %mul3A_169 = arith.constant 128 : i32
    %mul3A_170 = vector.broadcast %mul3A_169 : i32 to vector<8x128xi32>
    %mul3A_171 = arith.muli %reduce_min3A_162, %mul3A_170 : vector<8x128xi32>
    %add3A_172 = arith.addi %mul3A_171, %iota3A_166 : vector<8x128xi32>
    %jit3A_173 = arith.constant 2147483647 : i32
    %broadcast_in_dim3A_174 = vector.broadcast %jit3A_173 : i32 to vector<8x128xi32>
    %select_n3A_175 = arith.select %eq3A_168, %add3A_172, %broadcast_in_dim3A_174 : vector<8x128xi1>, vector<8x128xi32>
    %reduce_min3A_176 = arith.constant dense<2147483647> : vector<8xi32>
    %reduce_min3A_177 = vector.multi_reduction <minsi>, %select_n3A_175, %reduce_min3A_176 [1] : vector<8x128xi32> to vector<8xi32>
    %swap3A_178 = arith.constant 2 : index
    %swap3A_179 = arith.constant 0 : index
    %swap3A_180 = arith.constant 0 : index
    %swap3A_181 = arith.constant 0 : index
    %swap3A_182 = vector.load %arg2[%swap3A_178, %swap3A_179, %swap3A_180, %swap3A_181] : memref<4x1x2x8xi32, #tpu.memory_space<vmem>>, vector<1x1x1x8xi32>
    %swap3A_183 = vector.shape_cast %swap3A_182 : vector<1x1x1x8xi32> to vector<8xi32>
    %swap3A_184 = vector.shape_cast %reduce_min3A_177 : vector<8xi32> to vector<1x1x1x8xi32>
    tpu.vector_store %arg2[%swap3A_178, %swap3A_179, %swap3A_180, %swap3A_181], %swap3A_184 {strides = array<i32>} : memref<4x1x2x8xi32, #tpu.memory_space<vmem>>, vector<1x1x1x8xi32>,
    %get3A_185 = arith.constant 5 : index
    %get3A_186 = arith.constant 0 : index
    %get3A_187 = arith.constant 0 : index
    %get3A_188 = arith.constant 0 : index
    %get3A_189 = vector.load %arg1[%get3A_185, %get3A_186, %get3A_187, %get3A_188] : memref<8x256x8x128xf32, #tpu.memory_space<vmem>>, vector<1x256x8x128xf32>
    %get3A_190 = vector.shape_cast %get3A_189 : vector<1x256x8x128xf32> to vector<256x8x128xf32>
    %reduce_min3A_191 = arith.constant dense<0x7F800000> : vector<8x128xf32>
    %reduce_min3A_192 = vector.multi_reduction <minimumf>, %get3A_190, %reduce_min3A_191 [0] : vector<256x8x128xf32> to vector<8x128xf32>
    %iota3A_193 = tpu.iota {dimensions = array<i32: 0>} : vector<256x8x128xi32>
    %broadcast_in_dim3A_194 = vector.shape_cast %reduce_min3A_192 : vector<8x128xf32> to vector<1x8x128xf32>
    %eq3A_195 = vector.broadcast %broadcast_in_dim3A_194 : vector<1x8x128xf32> to vector<256x8x128xf32>
    %eq3A_196 = arith.cmpf oeq, %get3A_190, %eq3A_195 : vector<256x8x128xf32>
    %jit3A_197 = arith.constant 2147483647 : i32
    %broadcast_in_dim3A_198 = vector.broadcast %jit3A_197 : i32 to vector<256x8x128xi32>
    %select_n3A_199 = arith.select %eq3A_196, %iota3A_193, %broadcast_in_dim3A_198 : vector<256x8x128xi1>, vector<256x8x128xi32>
    %reduce_min3A_200 = arith.constant dense<2147483647> : vector<8x128xi32>
    %reduce_min3A_201 = vector.multi_reduction <minsi>, %select_n3A_199, %reduce_min3A_200 [0] : vector<256x8x128xi32> to vector<8x128xi32>
    %reduce_min3A_202 = arith.constant dense<0x7F800000> : vector<8xf32>
    %reduce_min3A_203 = vector.multi_reduction <minimumf>, %reduce_min3A_192, %reduce_min3A_202 [1] : vector<8x128xf32> to vector<8xf32>
    %broadcast_in_dim3A_204 = vector.shape_cast %reduce_min3A_203 : vector<8xf32> to vector<8x1xf32>
    %iota3A_205 = tpu.iota {dimensions = array<i32: 1>} : vector<8x128xi32>
    %eq3A_206 = vector.broadcast %broadcast_in_dim3A_204 : vector<8x1xf32> to vector<8x128xf32>
    %eq3A_207 = arith.cmpf oeq, %reduce_min3A_192, %eq3A_206 : vector<8x128xf32>
    %mul3A_208 = arith.constant 128 : i32
    %mul3A_209 = vector.broadcast %mul3A_208 : i32 to vector<8x128xi32>
    %mul3A_210 = arith.muli %reduce_min3A_201, %mul3A_209 : vector<8x128xi32>
    %add3A_211 = arith.addi %mul3A_210, %iota3A_205 : vector<8x128xi32>
    %jit3A_212 = arith.constant 2147483647 : i32
    %broadcast_in_dim3A_213 = vector.broadcast %jit3A_212 : i32 to vector<8x128xi32>
    %select_n3A_214 = arith.select %eq3A_207, %add3A_211, %broadcast_in_dim3A_213 : vector<8x128xi1>, vector<8x128xi32>
    %reduce_min3A_215 = arith.constant dense<2147483647> : vector<8xi32>
    %reduce_min3A_216 = vector.multi_reduction <minsi>, %select_n3A_214, %reduce_min3A_215 [1] : vector<8x128xi32> to vector<8xi32>
    %swap3A_217 = arith.constant 2 : index
    %swap3A_218 = arith.constant 0 : index
    %swap3A_219 = arith.constant 1 : index
    %swap3A_220 = arith.constant 0 : index
    %swap3A_221 = vector.load %arg2[%swap3A_217, %swap3A_218, %swap3A_219, %swap3A_220] : memref<4x1x2x8xi32, #tpu.memory_space<vmem>>, vector<1x1x1x8xi32>
    %swap3A_222 = vector.shape_cast %swap3A_221 : vector<1x1x1x8xi32> to vector<8xi32>
    %swap3A_223 = vector.shape_cast %reduce_min3A_216 : vector<8xi32> to vector<1x1x1x8xi32>
    tpu.vector_store %arg2[%swap3A_217, %swap3A_218, %swap3A_219, %swap3A_220], %swap3A_223 {strides = array<i32>} : memref<4x1x2x8xi32, #tpu.memory_space<vmem>>, vector<1x1x1x8xi32>,
    %get3A_224 = arith.constant 6 : index
    %get3A_225 = arith.constant 0 : index
    %get3A_226 = arith.constant 0 : index
    %get3A_227 = arith.constant 0 : index
    %get3A_228 = vector.load %arg1[%get3A_224, %get3A_225, %get3A_226, %get3A_227] : memref<8x256x8x128xf32, #tpu.memory_space<vmem>>, vector<1x256x8x128xf32>
    %get3A_229 = vector.shape_cast %get3A_228 : vector<1x256x8x128xf32> to vector<256x8x128xf32>
    %reduce_min3A_230 = arith.constant dense<0x7F800000> : vector<8x128xf32>
    %reduce_min3A_231 = vector.multi_reduction <minimumf>, %get3A_229, %reduce_min3A_230 [0] : vector<256x8x128xf32> to vector<8x128xf32>
    %iota3A_232 = tpu.iota {dimensions = array<i32: 0>} : vector<256x8x128xi32>
    %broadcast_in_dim3A_233 = vector.shape_cast %reduce_min3A_231 : vector<8x128xf32> to vector<1x8x128xf32>
    %eq3A_234 = vector.broadcast %broadcast_in_dim3A_233 : vector<1x8x128xf32> to vector<256x8x128xf32>
    %eq3A_235 = arith.cmpf oeq, %get3A_229, %eq3A_234 : vector<256x8x128xf32>
    %jit3A_236 = arith.constant 2147483647 : i32
    %broadcast_in_dim3A_237 = vector.broadcast %jit3A_236 : i32 to vector<256x8x128xi32>
    %select_n3A_238 = arith.select %eq3A_235, %iota3A_232, %broadcast_in_dim3A_237 : vector<256x8x128xi1>, vector<256x8x128xi32>
    %reduce_min3A_239 = arith.constant dense<2147483647> : vector<8x128xi32>
    %reduce_min3A_240 = vector.multi_reduction <minsi>, %select_n3A_238, %reduce_min3A_239 [0] : vector<256x8x128xi32> to vector<8x128xi32>
    %reduce_min3A_241 = arith.constant dense<0x7F800000> : vector<8xf32>
    %reduce_min3A_242 = vector.multi_reduction <minimumf>, %reduce_min3A_231, %reduce_min3A_241 [1] : vector<8x128xf32> to vector<8xf32>
    %broadcast_in_dim3A_243 = vector.shape_cast %reduce_min3A_242 : vector<8xf32> to vector<8x1xf32>
    %iota3A_244 = tpu.iota {dimensions = array<i32: 1>} : vector<8x128xi32>
    %eq3A_245 = vector.broadcast %broadcast_in_dim3A_243 : vector<8x1xf32> to vector<8x128xf32>
    %eq3A_246 = arith.cmpf oeq, %reduce_min3A_231, %eq3A_245 : vector<8x128xf32>
    %mul3A_247 = arith.constant 128 : i32
    %mul3A_248 = vector.broadcast %mul3A_247 : i32 to vector<8x128xi32>
    %mul3A_249 = arith.muli %reduce_min3A_240, %mul3A_248 : vector<8x128xi32>
    %add3A_250 = arith.addi %mul3A_249, %iota3A_244 : vector<8x128xi32>
    %jit3A_251 = arith.constant 2147483647 : i32
    %broadcast_in_dim3A_252 = vector.broadcast %jit3A_251 : i32 to vector<8x128xi32>
    %select_n3A_253 = arith.select %eq3A_246, %add3A_250, %broadcast_in_dim3A_252 : vector<8x128xi1>, vector<8x128xi32>
    %reduce_min3A_254 = arith.constant dense<2147483647> : vector<8xi32>
    %reduce_min3A_255 = vector.multi_reduction <minsi>, %select_n3A_253, %reduce_min3A_254 [1] : vector<8x128xi32> to vector<8xi32>
    %swap3A_256 = arith.constant 3 : index
    %swap3A_257 = arith.constant 0 : index
    %swap3A_258 = arith.constant 0 : index
    %swap3A_259 = arith.constant 0 : index
    %swap3A_260 = vector.load %arg2[%swap3A_256, %swap3A_257, %swap3A_258, %swap3A_259] : memref<4x1x2x8xi32, #tpu.memory_space<vmem>>, vector<1x1x1x8xi32>
    %swap3A_261 = vector.shape_cast %swap3A_260 : vector<1x1x1x8xi32> to vector<8xi32>
    %swap3A_262 = vector.shape_cast %reduce_min3A_255 : vector<8xi32> to vector<1x1x1x8xi32>
    tpu.vector_store %arg2[%swap3A_256, %swap3A_257, %swap3A_258, %swap3A_259], %swap3A_262 {strides = array<i32>} : memref<4x1x2x8xi32, #tpu.memory_space<vmem>>, vector<1x1x1x8xi32>,
    %get3A_263 = arith.constant 7 : index
    %get3A_264 = arith.constant 0 : index
    %get3A_265 = arith.constant 0 : index
    %get3A_266 = arith.constant 0 : index
    %get3A_267 = vector.load %arg1[%get3A_263, %get3A_264, %get3A_265, %get3A_266] : memref<8x256x8x128xf32, #tpu.memory_space<vmem>>, vector<1x256x8x128xf32>
    %get3A_268 = vector.shape_cast %get3A_267 : vector<1x256x8x128xf32> to vector<256x8x128xf32>
    %reduce_min3A_269 = arith.constant dense<0x7F800000> : vector<8x128xf32>
    %reduce_min3A_270 = vector.multi_reduction <minimumf>, %get3A_268, %reduce_min3A_269 [0] : vector<256x8x128xf32> to vector<8x128xf32>
    %iota3A_271 = tpu.iota {dimensions = array<i32: 0>} : vector<256x8x128xi32>
    %broadcast_in_dim3A_272 = vector.shape_cast %reduce_min3A_270 : vector<8x128xf32> to vector<1x8x128xf32>
    %eq3A_273 = vector.broadcast %broadcast_in_dim3A_272 : vector<1x8x128xf32> to vector<256x8x128xf32>
    %eq3A_274 = arith.cmpf oeq, %get3A_268, %eq3A_273 : vector<256x8x128xf32>
    %jit3A_275 = arith.constant 2147483647 : i32
    %broadcast_in_dim3A_276 = vector.broadcast %jit3A_275 : i32 to vector<256x8x128xi32>
    %select_n3A_277 = arith.select %eq3A_274, %iota3A_271, %broadcast_in_dim3A_276 : vector<256x8x128xi1>, vector<256x8x128xi32>
    %reduce_min3A_278 = arith.constant dense<2147483647> : vector<8x128xi32>
    %reduce_min3A_279 = vector.multi_reduction <minsi>, %select_n3A_277, %reduce_min3A_278 [0] : vector<256x8x128xi32> to vector<8x128xi32>
    %reduce_min3A_280 = arith.constant dense<0x7F800000> : vector<8xf32>
    %reduce_min3A_281 = vector.multi_reduction <minimumf>, %reduce_min3A_270, %reduce_min3A_280 [1] : vector<8x128xf32> to vector<8xf32>
    %broadcast_in_dim3A_282 = vector.shape_cast %reduce_min3A_281 : vector<8xf32> to vector<8x1xf32>
    %iota3A_283 = tpu.iota {dimensions = array<i32: 1>} : vector<8x128xi32>
    %eq3A_284 = vector.broadcast %broadcast_in_dim3A_282 : vector<8x1xf32> to vector<8x128xf32>
    %eq3A_285 = arith.cmpf oeq, %reduce_min3A_270, %eq3A_284 : vector<8x128xf32>
    %mul3A_286 = arith.constant 128 : i32
    %mul3A_287 = vector.broadcast %mul3A_286 : i32 to vector<8x128xi32>
    %mul3A_288 = arith.muli %reduce_min3A_279, %mul3A_287 : vector<8x128xi32>
    %add3A_289 = arith.addi %mul3A_288, %iota3A_283 : vector<8x128xi32>
    %jit3A_290 = arith.constant 2147483647 : i32
    %broadcast_in_dim3A_291 = vector.broadcast %jit3A_290 : i32 to vector<8x128xi32>
    %select_n3A_292 = arith.select %eq3A_285, %add3A_289, %broadcast_in_dim3A_291 : vector<8x128xi1>, vector<8x128xi32>
    %reduce_min3A_293 = arith.constant dense<2147483647> : vector<8xi32>
    %reduce_min3A_294 = vector.multi_reduction <minsi>, %select_n3A_292, %reduce_min3A_293 [1] : vector<8x128xi32> to vector<8xi32>
    %swap3A_295 = arith.constant 3 : index
    %swap3A_296 = arith.constant 0 : index
    %swap3A_297 = arith.constant 1 : index
    %swap3A_298 = arith.constant 0 : index
    %swap3A_299 = vector.load %arg2[%swap3A_295, %swap3A_296, %swap3A_297, %swap3A_298] : memref<4x1x2x8xi32, #tpu.memory_space<vmem>>, vector<1x1x1x8xi32>
    %swap3A_300 = vector.shape_cast %swap3A_299 : vector<1x1x1x8xi32> to vector<8xi32>
    %swap3A_301 = vector.shape_cast %reduce_min3A_294 : vector<8xi32> to vector<1x1x1x8xi32>
    tpu.vector_store %arg2[%swap3A_295, %swap3A_296, %swap3A_297, %swap3A_298], %swap3A_301 {strides = array<i32>} : memref<4x1x2x8xi32, #tpu.memory_space<vmem>>, vector<1x1x1x8xi32>,
    return
  }
  func.func @transform_0(%arg0: i32) -> (i32, i32, i32, i32) {
    %add3A = arith.constant 5 : i32
    %add3A_0 = arith.addi %add3A, %arg0 : i32
    %c0_i32 = arith.constant 0 : i32
    %c0_i32_1 = arith.constant 0 : i32
    %c0_i32_2 = arith.constant 0 : i32
    %c0_i32_3 = arith.constant 0 : i32
    return %add3A_0, %c0_i32, %c0_i32_1, %c0_i32_2 : i32, i32, i32, i32
  }
  func.func @transform_1(%arg0: i32) -> (i32, i32, i32, i32) {
    %c0_i32 = arith.constant 0 : i32
    %c0_i32_0 = arith.constant 0 : i32
    %c0_i32_1 = arith.constant 0 : i32
    %c0_i32_2 = arith.constant 0 : i32
    return %arg0, %c0_i32, %c0_i32_0, %c0_i32_1 : i32, i32, i32, i32
  }
}

</mosaic_0001>

<sc_bundles>
// kernel: kernel.4.cloned.1.call-start
scs
__scs_entry_jumppad:
0x0: {  	(pc) =	sbr.rel $0x88, $3  }
0x1: {  	(tag) =	ssettag $0x0;
	lr =	simm.s32 $0x1  }
0x2: {  	[smem:$0x3FA0] =	sst lr;
	_ =	strace $0xD0000000  }
0x3: {  	_ = 	snop  }
0x4: {  	_ = 	snop  }
0x5: {  	_ = 	snop  }
0x6: {  	_ = 	snop  }
0x7: {  	_ = 	snop  }
__scs_overlays_trampoline_lowered:
0x8: {  	[smem:$0x3FAF] =	sst s0  }
0x9: {  	[smem:$0x3FB0] =	sst s1  }
0xa: {  	[smem:$0x3FB1] =	sst s2  }
0xb: {  	[smem:$0x3FB2] =	sst s3  }
0xc: {  	[smem:$0x3FB3] =	sst s4  }
0xd: {  	[smem:$0x3FB4] =	sst s5  }
0xe: {  	[smem:$0x3FB5] =	sst s6  }
0xf: {  	[smem:$0x3FB6] =	sst s7  }
0x10: {  	[smem:$0x3FB7] =	sst s8  }
0x11: {  	[smem:$0x3FB8] =	sst s9;
	s0 =	simm.s32 @!p0 $0x0  }
0x12: {  	s1 =	sld [smem:$0x3F9E];
	s0 =	simm.s32 @p0 $0x1  }
0x13: {  	[smem:$0x3FB9] =	sst s0;
	s0 =	simm.s32 @!p1 $0x0  }
0x14: {  	s2 =	sld [smem:$0x3F9D];
	s0 =	simm.s32 @p1 $0x1  }
0x15: {  	[smem:$0x3FBA] =	sst s0;
	s0 =	simm.s32 @!p2 $0x0  }
0x16: {  	s3 =	sld [smem:$0x3FDB];
	s0 =	simm.s32 @p2 $0x1  }
0x17: {  	s4 =	simm.s32 $0x1BF5;
	[smem:$0x3FBC] =	sst s0  }
0x18: {  	s0 =	sld [smem:$0x3F9F];
	_ =	swait.ge [sflag:s4], $0x0  }
0x19: {  	s7 =	sld [smem:$0x3FA0]  }
0x1a: {  	s8 =	sadd.s32 $0xFFFFE003, lr  }
0x1b: {  	s9 =	sadd.s32 $0xFFFFFEF7, lr;
	s5 =	simm.s32 $0xFFFFFFFF;
	p2 =	slt.u32 s8, $0xFFFFF086  }
0x1c: {  	p1 =	slt.u32 s9, $0xF7A;
	s5 =	simm.s32 @!p2 $0x0  }
0x1d: {  	s5 =	simm.s32 @p1 $0x1;
	p0 =	seq.s32 s7, s2  }
0x1e: {  	s7 =	smul.u32 @!p0 $0xF7A, s2;
	p2 =	seq.s32 @!p0 s5, $0x0  }
0x1f: {  	s9 =	smul.u32 $0xF7A, s1;
	s8 =	simm.s32 @!p0 $0x1BF5;
	p2 =	por !p2, p0  }
0x20: {  	[sflag:s8] =	ssyncset.s32 @!p0 $0xFFFFF086;
	s6 =	sadd.s32 @!p0 s3, s7;
	s7 =	simm.s32 @!p0 $0x108  }
0x21: {  	s3 =	sadd.s32 s3, s9;
	s6 =	sadd.s32 @!p0 $0x88, s6;
	s7 =	simm.s32 @p2 $0x1082  }
0x22: {  	[simem:s7], [sflag:s8] =	dma.local @!p0 [hbm:s6], $0xF7A  }
0x23: {  	s9 =	sor.u32 $0xD0000000, s2;
	s6 =	simm.s32 $0x108;
	_ =	swait.ge @!p0 [sflag:s8], $0x0  }
0x24: {  	s3 =	sadd.s32 $0x88, s3;
	s6 =	simm.s32 @!p1 $0x1082;
	[sflag:s4] =	ssyncset.s32 $0xFFFFF086  }
0x25: {  	[simem:s6], [sflag:s4] =	dma.local [hbm:s3], $0xF7A  }
0x26: {  	[smem:$0x3FA0] =	sst s1;
	(tag) =	ssettag s2;
	_ =	strace s9  }
0x27: {  	s1 =	sld [smem:$0x3FB0]  }
0x28: {  	s2 =	sld [smem:$0x3FB1]  }
0x29: {  	s4 =	sld [smem:$0x3FB3]  }
0x2a: {  	p0 =	seq.s32 s5, $0x0;
	s5 =	sld [smem:$0x3FB4]  }
0x2b: {  	s6 =	sld [smem:$0x3FB5]  }
0x2c: {  	s7 =	sld [smem:$0x3FB6]  }
0x2d: {  	s3 =	simm.s32 $0x108;
	s8 =	sld [smem:$0x3FB7]  }
0x2e: {  	s3 =	simm.s32 @!p0 $0x1082;
	s9 =	sld [smem:$0x3FB8]  }
0x2f: {  	lr =	sadd.s32 s0, s3;
	s0 =	sld [smem:$0x3FAF]  }
0x30: {  	s3 =	sld [smem:$0x3FB2]  }
0x31: {  	[smem:$0x3FBB] =	sst s10  }
0x32: {  	s10 =	sld [smem:$0x3FB9];
	_ =	sdelay $0x3  }
0x33: {  	p0 =	seq.s32 s10, $0x1;
	s10 =	sld [smem:$0x3FBB];
	_ =	sdelay $0x3  }
0x34: {  	[smem:$0x3FBB] =	sst s10  }
0x35: {  	s10 =	sld [smem:$0x3FBA];
	_ =	sdelay $0x3  }
0x36: {  	p1 =	seq.s32 s10, $0x1;
	s10 =	sld [smem:$0x3FBB];
	_ =	sdelay $0x3  }
0x37: {  	[smem:$0x3FBB] =	sst s10  }
0x38: {  	s10 =	sld [smem:$0x3FBC]  }
0x39: {  	_ = 	snop;
	(pc) =	sbr.ind lr, $3  }
0x3a: {  	_ = 	snop  }
0x3b: {  	_ = 	snop  }
0x3c: {  	p2 =	seq.s32 s10, $0x1;
	s10 =	sld [smem:$0x3FBB]  }
0x3d: {  	_ =	shalt  }
0x3e: {  	_ =	shalt  }
0x3f: {  	_ =	shalt  }
0x40: {  	_ =	shalt  }
0x41: {  	_ =	shalt  }
0x42: {  	_ =	shalt  }
0x43: {  	_ =	shalt  }
0x44: {  	_ =	shalt  }
0x45: {  	_ =	shalt  }
0x46: {  	_ =	shalt  }
0x47: {  	_ =	shalt  }
0x48: {  	_ =	shalt  }
0x49: {  	_ =	shalt  }
0x4a: {  	_ =	shalt  }
0x4b: {  	_ =	shalt  }
0x4c: {  	_ =	shalt  }
0x4d: {  	_ =	shalt  }
0x4e: {  	_ =	shalt  }
0x4f: {  	_ =	shalt  }
0x50: {  	_ =	shalt  }
0x51: {  	_ =	shalt  }
0x52: {  	_ =	shalt  }
0x53: {  	_ =	shalt  }
0x54: {  	_ =	shalt  }
0x55: {  	_ =	shalt  }
0x56: {  	_ =	shalt  }
0x57: {  	_ =	shalt  }
0x58: {  	_ =	shalt  }
0x59: {  	_ =	shalt  }
0x5a: {  	_ =	shalt  }
0x5b: {  	_ =	shalt  }
0x5c: {  	_ =	shalt  }
0x5d: {  	_ =	shalt  }
0x5e: {  	_ =	shalt  }
0x5f: {  	_ =	shalt  }
0x60: {  	_ =	shalt  }
0x61: {  	_ =	shalt  }
0x62: {  	_ =	shalt  }
0x63: {  	_ =	shalt  }
0x64: {  	_ =	shalt  }
0x65: {  	_ =	shalt  }
0x66: {  	_ =	shalt  }
0x67: {  	_ =	shalt  }
0x68: {  	_ =	shalt  }
0x69: {  	_ =	shalt  }
0x6a: {  	_ =	shalt  }
0x6b: {  	_ =	shalt  }
0x6c: {  	_ =	shalt  }
0x6d: {  	_ =	shalt  }
0x6e: {  	_ =	shalt  }
0x6f: {  	_ =	shalt  }
0x70: {  	_ =	shalt  }
0x71: {  	_ =	shalt  }
0x72: {  	_ =	shalt  }
0x73: {  	_ =	shalt  }
0x74: {  	_ =	shalt  }
0x75: {  	_ =	shalt  }
0x76: {  	_ =	shalt  }
0x77: {  	_ =	shalt  }
0x78: {  	_ =	shalt  }
0x79: {  	_ =	shalt  }
0x7a: {  	_ =	shalt  }
0x7b: {  	_ =	shalt  }
0x7c: {  	_ =	shalt  }
0x7d: {  	_ =	shalt  }
0x7e: {  	_ =	shalt  }
0x7f: {  	_ =	shalt  }
0x80: {  	_ =	shalt  }
0x81: {  	_ =	shalt  }
0x82: {  	_ =	shalt  }
0x83: {  	_ =	shalt  }
0x84: {  	_ =	shalt  }
0x85: {  	_ =	shalt  }
0x86: {  	_ =	shalt  }
0x87: {  	_ =	shalt  }
.Lfunc_end0:
.L_simem_size_0:
called_computation_lowered:
.L_overlay_start_0:
0x88: {  	s2 =	sld [smem:$0x3FD9]  }
0x89: {  	s3 =	sld [smem:$0x3FFE];
	_ =	sdelay $0x1  }
0x8a: {  	s1 =	srdreg.scid  }
0x8b: {  	s0 =	sand.u32 $0x1, s1  }
0x8c: {  	s18 =	sshll.u32 s0, $0xA;
	s2 =	sadd.s32 s3, s2  }
0x8d: {  	s2 =	sadd.s32 s2, s18  }
0x8e: {  	[smem:$0x3FC7] =	sst s2  }
0x8f: {  	_ = 	snop  }
0x90: {  	s2 =	sld [smem:$0x3FC9]  }
0x91: {  	s19 =	sld [smem:$0x3FD0];
	(tm) =	ssettm $0x1  }
0x92: {  	s4 =	sld [smem:$0x3FFB];
	_ =	sdelay $0x3  }
0x93: {  	_ =	strace s4  }
0x94: {  	s4 =	sld [smem:$0x3FFC];
	_ =	sdelay $0x3  }
0x95: {  	_ =	strace s4  }
0x96: {  	s4 =	sld [smem:$0x3FFD];
	_ =	sdelay $0x3  }
0x97: {  	_ =	strace s4  }
0x98: {  	_ =	strace $0x8FFFFFFF  }
0x99: {  	s20 =	sld [smem:$0x3FDB];
	_ =	sdelay $0x1  }
0x9a: {  	s5 =	simm.s32 $_scs_section_size  }
0x9b: {  	s6 =	simm.s32 $_size__tile_overlayer_lowered;
	s7 =	simm.s32 $_tile_overlayer_lowered  }
0x9c: {  	s23 =	simm.s32 $0x1BFF;
	s22 =	sshll.u32 s7, $0x1;
	s4 =	sadd.s32 s5, s20  }
0x9d: {  	s8 =	simm.s32 $0x0;
	s21 =	sshll.u32 s6, $0x1;
	s6 =	sadd.s32 s22, s4  }
0x9e: {  	[timem:s8], [sflag:s23] =	dma.local [hbm:s6], s21  }
0x9f: {  	_ =	swait.ge [sflag:s23], s21  }
0xa0: {  	s5 =	ssub.s32 $0x0, s21;
	[sflag:s23] =	ssyncset.done $0x0  }
0xa1: {  	[sflag:s23] =	ssyncadd.s32 s5;
	_ =	sdelay $0x1  }
0xa2: {  	s24 =	simm.s32 $0x1B8B  }
0xa3: {  	_ =	swait.ge [sflag:s24], $0x1  }
0xa4: {  	[sflag:s24] =	ssyncset.done $0x0  }
0xa5: {  	s25 =	simm.s32 $0x1B8E;
	[sflag:s24] =	ssyncadd.s32 $0xFFFFFFFF  }
0xa6: {  	s26 =	simm.s32 $execute0_lowered;
	[smem:$0x3FD2] =	sst s25  }
0xa7: {  	s5 =	sshll.u32 s26, $0x1;
	_ =	strace $0x80000046;
	[dreg:$0x1] =	wrdreg $0xFFFFFFFF  }
0xa8: {  	s28 =	simm.s32 $_size_execute0_lowered;
	s4 =	sadd.s32 s4, s5;
	[dreg:$0x0] =	wrdreg $0x0  }
0xa9: {  	s5 =	sshll.u32 s28, $0x1;
	[dreg:$0x2] =	wrdreg s4  }
0xaa: {  	[dreg:$0x3] =	wrdreg s5  }
0xab: {  	[dreg:$0x4] =	wrdreg $0xC0  }
0xac: {  	_ =	task [dreg:s8], $0x5FFFF  }
0xad: {  	[dreg:$0x1] =	wrdreg $0xFFFFFFFF  }
0xae: {  	[dreg:$0x0] =	wrdreg $0x60  }
0xaf: {  	[dreg:$0x2] =	wrdreg s2  }
0xb0: {  	[dreg:$0x3] =	wrdreg s19  }
0xb1: {  	[dreg:$0x4] =	wrdreg $0x9  }
0xb2: {  	_ =	task.clear_ibuf [dreg:s8], $0x5FFFF;
	_ =	strace $0x90000046  }
0xb3: {  	s29 =	simm.s32 $0x9;
	_ =	strace $0x80000048  }
0xb4: {  	_ =	swait.ge [sflag:s29], $0x1  }
0xb5: {  	[sflag:s29] =	ssyncadd.s32 $0xFFFFFFFF  }
0xb6: {  	_ =	strace $0x90000048  }
0xb7: {  	_ =	sfence  }
0xb8: {  	s30 =	sld [smem:$0x0];
	_ =	sdelay $0x2  }
0xb9: {  	s31 =	sshll.u32 s1, $0xD;
	s1 =	sshrl.u32 s1, $0x2  }
0xba: {  	s3 =	sand.u32 $0x4000, s31;
	s1 =	sadd.s32 s1, s30  }
0xbb: {  	s0 =	sor.u32 s3, s0;
	s1 =	sshll.u32 s1, $0x11  }
0xbc: {  	s0 =	sor.u32 s1, s0  }
0xbd: {  	s0 =	sadd.s32 $0x8F2B, s0  }
0xbe: {  	[sflag:s0] =	ssyncadd.remote.s32 $0x1  }
0xbf: {  	_ =	sfence.sel $0xFFFF  }
0xc0: {  	[dreg:$0x0] =	wrdreg $0xFFFFFFFF;
	(pc) =	sbr.abs _section_cstart, $3  }
0xc1: {  	[dreg:$0x1] =	wrdreg $0xFFFFFFFF  }
0xc2: {  	_ =	task.clear_ibuf [dreg:s8], $0x2FFFF;
	_ =	strace $0x9FFFFFFF  }
0xc3: {  	(tm) =	ssettm $0x7FFFFFFF  }
tec
execute0_lowered:
.L_overlay_start_1:
0x0: {  	(tag) =	ssettag $0x1  }
0x1: {  	s1 =	stileid.u32  }
0x2: {  	p0 =	sgt.u32 s1, $0x9  }
.Ltmp0:
0x3: {  	_ = 	snop;
	(pc) =	sbr.rel @p0 .LBB2_11-.Ltmp0, $4  }
0x4: {  	s2 =	rddreg [dreg:$0x0]  }
0x5: {  	s6 =	rddreg [dreg:$0x1];
	s3 =	simm.s32 $0x0  }
0x6: {  	[smem:$0x7FF] =	sst s3  }
0x7: {  	s0 =	rddreg [dreg:$0x2];
	_ =	strace $0x80000047  }
0x8: {  	s4 =	srdreg.scid  }
0x9: {  	s5 =	sshll.u32 s1, $0x1;
	s10 =	simm.s32 $0x1;
	s11 =	simm.s32 $0x2  }
0xa: {  	s12 =	simm.s32 $0x10000;
	s13 =	simm.s32 $0x3;
	s4 =	sand.u32 $0x1, s4  }
0xb: {  	s14 =	simm.s32 $0x0;
	s5 =	sor.u32 s4, s5;
	s7 =	ssub.s32 $0x2, s4  }
0xc: {  	s8 =	sshrl.u32 s7, $0x1;
	s9 =	sshll.u32 s5, $0x10;
	s4 =	sshll.u32 s5, $0x1  }
0xd: {  	s8 =	ssub.s32 s7, s8;
	s5 =	sadd.s32 s2, s9;
	s6 =	sadd.s32 s6, s4  }
0xe: {  	v0 =	vlaneseq.u32;
	s9 =	simm.s32 $0x8000;
	s7 =	sadd.s32 $0x1000, s5;
	s8 =	smax.u32 s8, $0x1  }
.LBB2_2:
0xf: {  	s15 =	simm.s32 $0x0  }
0x10: {  	[tilespmem:s15], [sflag:$0x1] =	stream.linear.gather [hbm4b:s5+s15], $0x8000, $0x38;
	[tilespmem:$0x10010] =	vst v63  }
0x11: {  	p1 =	por $0x0, $0x0  }
0x12: {  	v1 =	vimm.s32 $0x0;
	[tilespmem:s9], [sflag:$0x2] =	stream.linear.gather [hbm4b:s7+s15], $0x8000, $0x38;
	[tilespmem:$0x10010] =	vst v63  }
.LBB2_3:
0x13: {  	v2 =	vimm.f32 $+Inf  }
0x14: {  	v3 =	vimm.s32 $0x0;
	v4 =	vimm.s32 $0x0;
	v5 =	vimm.f32 $+Inf  }
0x15: {  	v6 =	vimm.s32 $0x0;
	v7 =	vimm.f32 $+Inf;
	v8 =	vimm.s32 $0x0  }
0x16: {  	v9 =	vimm.f32 $+Inf;
	v10 =	vimm.s32 $0x0;
	v11 =	vimm.f32 $+Inf  }
0x17: {  	v12 =	vimm.s32 $0x0;
	v13 =	vimm.f32 $+Inf;
	v14 =	vimm.s32 $0x0  }
0x18: {  	p0 =	por p1, p1;
	s16 =	simm.s32 $0x0;
	v15 =	vimm.f32 $+Inf;
	v16 =	vimm.s32 $0x0;
	v17 =	vimm.f32 $+Inf;
	s17 =	simm.s32 $0x0  }
.LBB2_4:
0x19: {  	_ =	swait.ge [sflag:s10], $0x8000  }
0x1a: {  	[sflag:s10] =	ssyncset.done $0x0  }
0x1b: {  	s18 =	simm.s32 $0x0;
	s19 =	simm.s32 $0x200;
	[sflag:s10] =	ssyncadd.s32 $0xFFFF8000  }
.LBB2_5:
0x1c: {  	v18 =	vld [tilespmem:s19+$0xFFFFFE00]  }
0x1d: {  	v19 =	vld [tilespmem:s19+$0xFFFFFE80]  }
0x1e: {  	v20 =	vld [tilespmem:s19+$0xFFFFFF00];
	s20 =	sadd.s32 s18, s16  }
0x1f: {  	v21 =	vld [tilespmem:s19+$0xFFFFFF80];
	s21 =	sadd.s32 $0x10, s20  }
0x20: {  	v22 =	vld [tilespmem:s19+$0x0];
	v23 =	vor.u32 s20, v0;
	s26 =	sadd.s32 $0x20, s20;
	s28 =	sadd.s32 $0x30, s20;
	s29 =	sadd.s32 $0x40, s20;
	v61 =	vor.u32 s21, v0  }
0x21: {  	v24 =	vld [tilespmem:s19+$0x80];
	s30 =	sadd.s32 $0x50, s20;
	s31 =	sadd.s32 $0x60, s20;
	v30 =	vor.u32 s26, v0;
	v36 =	vor.u32 s28, v0;
	v43 =	vor.u32 s29, v0  }
0x22: {  	v57 =	vld [tilespmem:s19+$0xFFFFFE10];
	v49 =	vor.u32 s30, v0;
	v55 =	vor.u32 s31, v0;
	vm0 =	vlt.f32 v18, v17  }
0x23: {  	v58 =	vld [tilespmem:s19+$0xFFFFFE90];
	v17 =	vmin.f32 v17, v18;
	vm13 =	vlt.f32 v19, v15;
	v15 =	vmin.f32 v15, v19  }
0x24: {  	v59 =	vld [tilespmem:s19+$0xFFFFFF10];
	vm14 =	vlt.f32 v20, v13;
	v13 =	vmin.f32 v13, v20;
	vm15 =	vlt.f32 v21, v11  }
0x25: {  	v60 =	vld [tilespmem:s19+$0xFFFFFF90];
	v11 =	vmin.f32 v11, v21;
	vm4 =	vlt.f32 v22, v9;
	v9 =	vmin.f32 v9, v22  }
0x26: {  	v25 =	vld [tilespmem:s19+$0x90];
	vm5 =	vlt.f32 v24, v7;
	v7 =	vmin.f32 v7, v24;
	v16 =	vsel vm0, v23, v16  }
0x27: {  	v63 =	vld [tilespmem:s19+$0xFFFFFE20];
	v14 =	vsel vm13, v23, v14;
	v12 =	vsel vm14, v23, v12;
	v10 =	vsel vm15, v23, v10  }
0x28: {  	v28 =	vld [tilespmem:s19+$0xFFFFFEA0];
	v8 =	vsel vm4, v23, v8;
	v6 =	vsel vm5, v23, v6;
	vm8 =	vlt.f32 v57, v17  }
0x29: {  	v31 =	vld [tilespmem:s19+$0xA0];
	vm9 =	vlt.f32 v58, v15;
	v17 =	vmin.f32 v17, v57;
	vm10 =	vlt.f32 v59, v13  }
0x2a: {  	v18 =	vld [tilespmem:s19+$0x100];
	v15 =	vmin.f32 v15, v58;
	vm11 =	vlt.f32 v60, v11;
	v13 =	vmin.f32 v13, v59  }
0x2b: {  	v37 =	vld [tilespmem:s19+$0xB0];
	v11 =	vmin.f32 v11, v60;
	vm13 =	vlt.f32 v25, v7;
	v7 =	vmin.f32 v7, v25  }
0x2c: {  	v19 =	vld [tilespmem:s19+$0x180];
	v16 =	vsel vm8, v61, v16;
	v14 =	vsel vm9, v61, v14;
	v12 =	vsel vm10, v61, v12  }
0x2d: {  	v62 =	vld [tilespmem:s19+$0x190];
	v10 =	vsel vm11, v61, v10;
	v6 =	vsel vm13, v61, v6;
	vm4 =	vlt.f32 v63, v17  }
0x2e: {  	v29 =	vld [tilespmem:s19+$0xFFFFFFA0];
	v17 =	vmin.f32 v17, v63;
	vm5 =	vlt.f32 v28, v15;
	v15 =	vmin.f32 v15, v28  }
0x2f: {  	vm9 =	vlt.f32 v31, v7;
	vm6 =	vlt.f32 v18, v5;
	v5 =	vmin.f32 v5, v18;
	v18 =	vld [tilespmem:s19+$0x10]  }
0x30: {  	v32 =	vld [tilespmem:s19+$0x120];
	v7 =	vmin.f32 v7, v31;
	v14 =	vsel vm5, v30, v14;
	v6 =	vsel vm9, v30, v6  }
0x31: {  	vm5 =	vlt.f32 v37, v7;
	vm7 =	vlt.f32 v19, v2;
	v2 =	vmin.f32 v2, v19;
	v19 =	vld [tilespmem:s19+$0x110]  }
0x32: {  	v35 =	vld [tilespmem:s19+$0xFFFFFFB0];
	v16 =	vsel vm4, v30, v16;
	v7 =	vmin.f32 v7, v37;
	v6 =	vsel vm5, v36, v6  }
0x33: {  	v33 =	vld [tilespmem:s19+$0xFFFFFE30];
	v4 =	vsel vm6, v23, v4;
	v3 =	vsel vm7, v23, v3;
	vm15 =	vlt.f32 v62, v2  }
0x34: {  	s20 =	sadd.s32 $0x70, s20;
	v2 =	vmin.f32 v2, v62;
	vm12 =	vlt.f32 v18, v9;
	v9 =	vmin.f32 v9, v18;
	v18 =	vld [tilespmem:s19+$0xFFFFFF20]  }
0x35: {  	v34 =	vld [tilespmem:s19+$0xFFFFFF30];
	vm7 =	vlt.f32 v29, v11;
	v11 =	vmin.f32 v11, v29;
	v62 =	vor.u32 s20, v0  }
0x36: {  	v3 =	vsel vm15, v61, v3;
	vm14 =	vlt.f32 v19, v5;
	v5 =	vmin.f32 v5, v19;
	v19 =	vld [tilespmem:s19+$0x20]  }
0x37: {  	v38 =	vld [tilespmem:s19+$0x130];
	v10 =	vsel vm7, v30, v10;
	vm15 =	vlt.f32 v35, v11;
	v11 =	vmin.f32 v11, v35  }
0x38: {  	v39 =	vld [tilespmem:s19+$0xFFFFFE40];
	v10 =	vsel vm15, v36, v10;
	v8 =	vsel vm12, v61, v8;
	v4 =	vsel vm14, v61, v4  }
0x39: {  	vm10 =	vlt.f32 v32, v5;
	vm6 =	vlt.f32 v18, v13;
	v13 =	vmin.f32 v13, v18;
	v18 =	vld [tilespmem:s19+$0x1A0]  }
0x3a: {  	v40 =	vld [tilespmem:s19+$0xFFFFFEC0];
	v5 =	vmin.f32 v5, v32;
	vm12 =	vlt.f32 v33, v17;
	v17 =	vmin.f32 v17, v33  }
0x3b: {  	v4 =	vsel vm10, v30, v4;
	vm8 =	vlt.f32 v19, v9;
	v9 =	vmin.f32 v9, v19;
	v19 =	vld [tilespmem:s19+$0xFFFFFEB0]  }
0x3c: {  	v41 =	vld [tilespmem:s19+$0xFFFFFFC0];
	v16 =	vsel vm12, v36, v16;
	v12 =	vsel vm6, v30, v12;
	v8 =	vsel vm8, v30, v8  }
0x3d: {  	v42 =	vld [tilespmem:s19+$0x40];
	vm14 =	vlt.f32 v34, v13;
	v13 =	vmin.f32 v13, v34;
	vm6 =	vlt.f32 v38, v5  }
0x3e: {  	v5 =	vmin.f32 v5, v38;
	vm11 =	vlt.f32 v18, v2;
	v2 =	vmin.f32 v2, v18;
	v18 =	vld [tilespmem:s19+$0x30]  }
0x3f: {  	v44 =	vld [tilespmem:s19+$0xC0];
	vm8 =	vlt.f32 v39, v17;
	v17 =	vmin.f32 v17, v39;
	v12 =	vsel vm14, v36, v12  }
0x40: {  	v46 =	vld [tilespmem:s19+$0xFFFFFED0];
	v4 =	vsel vm6, v36, v4;
	v16 =	vsel vm8, v43, v16;
	vm13 =	vlt.f32 v19, v15  }
0x41: {  	v15 =	vmin.f32 v15, v19;
	v19 =	vld [tilespmem:s19+$0x1B0];
	v3 =	vsel vm11, v30, v3;
	v14 =	vsel vm13, v36, v14  }
0x42: {  	v45 =	vld [tilespmem:s19+$0x1C0];
	vm9 =	vlt.f32 v40, v15;
	v15 =	vmin.f32 v15, v40;
	vm11 =	vlt.f32 v41, v11  }
0x43: {  	v11 =	vmin.f32 v11, v41;
	vm4 =	vlt.f32 v18, v9;
	v9 =	vmin.f32 v9, v18;
	v18 =	vld [tilespmem:s19+$0xFFFFFF40]  }
0x44: {  	v48 =	vld [tilespmem:s19+$0xFFFFFFD0];
	vm13 =	vlt.f32 v44, v7;
	v7 =	vmin.f32 v7, v44;
	v14 =	vsel vm9, v43, v14  }
0x45: {  	v51 =	vld [tilespmem:s19+$0x1D0];
	v10 =	vsel vm11, v43, v10;
	v6 =	vsel vm13, v43, v6;
	vm5 =	vlt.f32 v46, v15  }
0x46: {  	v53 =	vld [tilespmem:s19+$0xFFFFFFE0];
	v15 =	vmin.f32 v15, v46;
	v14 =	vsel vm5, v49, v14;
	vm7 =	vlt.f32 v19, v2  }
0x47: {  	v2 =	vmin.f32 v2, v19;
	v19 =	vld [tilespmem:s19+$0x140];
	v8 =	vsel vm4, v36, v8;
	v3 =	vsel vm7, v36, v3  }
0x48: {  	vm12 =	vlt.f32 v42, v9;
	vm10 =	vlt.f32 v18, v13;
	v13 =	vmin.f32 v13, v18;
	v18 =	vld [tilespmem:s19+$0xFFFFFE50]  }
0x49: {  	v60 =	vld [tilespmem:s19+$0xFFFFFFF0];
	v9 =	vmin.f32 v9, v42;
	vm15 =	vlt.f32 v45, v2;
	v2 =	vmin.f32 v2, v45  }
0x4a: {  	v47 =	vld [tilespmem:s19+$0xFFFFFF50];
	vm7 =	vlt.f32 v48, v11;
	v11 =	vmin.f32 v11, v48;
	v8 =	vsel vm12, v43, v8  }
0x4b: {  	v50 =	vld [tilespmem:s19+$0x150];
	v3 =	vsel vm15, v43, v3;
	v10 =	vsel vm7, v49, v10;
	vm11 =	vlt.f32 v51, v2  }
0x4c: {  	vm15 =	vlt.f32 v53, v11;
	vm14 =	vlt.f32 v19, v5;
	v5 =	vmin.f32 v5, v19;
	v19 =	vld [tilespmem:s19+$0x50]  }
0x4d: {  	v11 =	vmin.f32 v11, v53;
	vm4 =	vlt.f32 v18, v17;
	v17 =	vmin.f32 v17, v18;
	v18 =	vld [tilespmem:s19+$0xD0]  }
0x4e: {  	v57 =	vld [tilespmem:s19+$0x160];
	v3 =	vsel vm11, v49, v3;
	v10 =	vsel vm15, v55, v10;
	vm11 =	vlt.f32 v60, v11  }
0x4f: {  	v52 =	vld [tilespmem:s19+$0xFFFFFE60];
	v2 =	vmin.f32 v2, v51;
	v11 =	vmin.f32 v11, v60;
	v10 =	vsel vm11, v62, v10  }
0x50: {  	v54 =	vld [tilespmem:s19+$0x60];
	v12 =	vsel vm10, v43, v12;
	v4 =	vsel vm14, v43, v4;
	vm6 =	vlt.f32 v47, v13  }
0x51: {  	vm10 =	vlt.f32 v50, v5;
	vm8 =	vlt.f32 v19, v9;
	v9 =	vmin.f32 v9, v19;
	v19 =	vld [tilespmem:s19+$0xFFFFFEE0]  }
0x52: {  	v5 =	vmin.f32 v5, v50;
	vm9 =	vlt.f32 v18, v7;
	v7 =	vmin.f32 v7, v18;
	v18 =	vld [tilespmem:s19+$0xFFFFFF60]  }
0x53: {  	v61 =	vld [tilespmem:s19+$0x70];
	v12 =	vsel vm6, v49, v12;
	v4 =	vsel vm10, v49, v4;
	vm6 =	vlt.f32 v57, v5  }
0x54: {  	v56 =	vld [tilespmem:s19+$0xE0];
	v13 =	vmin.f32 v13, v47;
	v5 =	vmin.f32 v5, v57;
	v4 =	vsel vm6, v55, v4  }
0x55: {  	v58 =	vld [tilespmem:s19+$0xFFFFFEF0];
	v16 =	vsel vm4, v49, v16;
	v8 =	vsel vm8, v49, v8;
	vm12 =	vlt.f32 v52, v17  }
0x56: {  	vm4 =	vlt.f32 v54, v9;
	vm13 =	vlt.f32 v19, v15;
	v15 =	vmin.f32 v15, v19;
	v19 =	vld [tilespmem:s19+$0x1E0]  }
0x57: {  	v9 =	vmin.f32 v9, v54;
	vm14 =	vlt.f32 v18, v13;
	v13 =	vmin.f32 v13, v18;
	v18 =	vld [tilespmem:s19+$0xFFFFFE70]  }
0x58: {  	v63 =	vld [tilespmem:s19+$0xF0];
	v16 =	vsel vm12, v55, v16;
	v8 =	vsel vm4, v55, v8;
	vm12 =	vlt.f32 v61, v9  }
0x59: {  	v17 =	vmin.f32 v17, v52;
	v9 =	vmin.f32 v9, v61;
	v8 =	vsel vm12, v62, v8  }
0x5a: {  	v59 =	vld [tilespmem:s19+$0xFFFFFF70];
	v6 =	vsel vm9, v49, v6;
	v14 =	vsel vm13, v55, v14;
	vm5 =	vlt.f32 v56, v7  }
0x5b: {  	v7 =	vmin.f32 v7, v56;
	vm7 =	vlt.f32 v19, v2;
	v2 =	vmin.f32 v2, v19;
	v19 =	vld [tilespmem:s19+$0x170]  }
0x5c: {  	vm9 =	vlt.f32 v58, v15;
	vm8 =	vlt.f32 v18, v17;
	v17 =	vmin.f32 v17, v18;
	v18 =	vld [tilespmem:s19+$0x1F0]  }
0x5d: {  	p1 =	sne.s32 s18, $0xF80;
	v15 =	vmin.f32 v15, v58;
	v6 =	vsel vm5, v55, v6;
	vm13 =	vlt.f32 v63, v7  }
.Ltmp1:
0x5e: {  	v14 =	vsel vm9, v62, v14;
	v7 =	vmin.f32 v7, v63;
	v6 =	vsel vm13, v62, v6;
	(pc) =	sbr.rel @p1 .LBB2_5-.Ltmp1, $4  }
0x5f: {  	v12 =	vsel vm14, v55, v12;
	v3 =	vsel vm7, v55, v3;
	vm10 =	vlt.f32 v59, v13  }
0x60: {  	v13 =	vmin.f32 v13, v59;
	v12 =	vsel vm10, v62, v12;
	vm14 =	vlt.f32 v19, v5  }
0x61: {  	v5 =	vmin.f32 v5, v19;
	v16 =	vsel vm8, v62, v16;
	vm15 =	vlt.f32 v18, v2  }
0x62: {  	s18 =	sadd.s32 $0x80, s18;
	s19 =	sadd.s32 $0x400, s19;
	v4 =	vsel vm14, v62, v4;
	v2 =	vmin.f32 v2, v18;
	v3 =	vsel vm15, v62, v3  }
0x63: {  	s18 =	sshll.u32 s17, $0x1  }
0x64: {  	s18 =	sadd.s32 s15, s18  }
0x65: {  	p1 =	slt.s32 s18, $0xD;
	s19 =	smov.u32 s18  }
0x66: {  	s19 =	simm.s32 @!p1 $0xD  }
0x67: {  	s19 =	sadd.s32 $0x2, s19  }
0x68: {  	s20 =	sshrl.u32 s19, $0x3;
	s19 =	sshll.u32 s19, $0xC  }
0x69: {  	s20 =	sadd.s32 s4, s20;
	s19 =	sand.u32 $0x7000, s19  }
0x6a: {  	s20 =	sshll.u32 s20, $0xF;
	s19 =	sadd.s32 s2, s19  }
0x6b: {  	s20 =	sadd.s32 s20, s19;
	s19 =	simm.s32 $0x0  }
0x6c: {  	[tilespmem:s19], [sflag:$0x1] =	stream.linear.gather [hbm4b:s20+s19], $0x8000, $0x38;
	[tilespmem:$0x10010] =	vst v63  }
0x6d: {  	_ =	swait.ge [sflag:s11], $0x8000  }
0x6e: {  	[sflag:s11] =	ssyncset.done $0x0  }
0x6f: {  	s20 =	simm.s32 $0x8200;
	[sflag:s11] =	ssyncadd.s32 $0xFFFF8000  }
.LBB2_7:
0x70: {  	v18 =	vld [tilespmem:s20+$0xFFFFFE00]  }
0x71: {  	v19 =	vld [tilespmem:s20+$0xFFFFFE80]  }
0x72: {  	v20 =	vld [tilespmem:s20+$0xFFFFFF00];
	s21 =	sadd.s32 s19, s16  }
0x73: {  	v21 =	vld [tilespmem:s20+$0xFFFFFF80];
	s22 =	sadd.s32 $0x1000, s21;
	s25 =	sadd.s32 $0x1010, s21  }
0x74: {  	v22 =	vld [tilespmem:s20+$0x0];
	s26 =	sadd.s32 $0x1020, s21;
	s28 =	sadd.s32 $0x1030, s21;
	s29 =	sadd.s32 $0x1040, s21;
	v23 =	vor.u32 s22, v0;
	v61 =	vor.u32 s25, v0  }
0x75: {  	v24 =	vld [tilespmem:s20+$0x80];
	s30 =	sadd.s32 $0x1050, s21;
	s31 =	sadd.s32 $0x1060, s21;
	v30 =	vor.u32 s26, v0;
	v36 =	vor.u32 s28, v0;
	v43 =	vor.u32 s29, v0  }
0x76: {  	v57 =	vld [tilespmem:s20+$0xFFFFFE10];
	v49 =	vor.u32 s30, v0;
	v55 =	vor.u32 s31, v0;
	vm0 =	vlt.f32 v18, v17  }
0x77: {  	v58 =	vld [tilespmem:s20+$0xFFFFFE90];
	v17 =	vmin.f32 v17, v18;
	vm13 =	vlt.f32 v19, v15;
	v15 =	vmin.f32 v15, v19  }
0x78: {  	v59 =	vld [tilespmem:s20+$0xFFFFFF10];
	vm14 =	vlt.f32 v20, v13;
	v13 =	vmin.f32 v13, v20;
	vm15 =	vlt.f32 v21, v11  }
0x79: {  	v60 =	vld [tilespmem:s20+$0xFFFFFF90];
	v11 =	vmin.f32 v11, v21;
	vm4 =	vlt.f32 v22, v9;
	v9 =	vmin.f32 v9, v22  }
0x7a: {  	v25 =	vld [tilespmem:s20+$0x90];
	vm5 =	vlt.f32 v24, v7;
	v7 =	vmin.f32 v7, v24;
	v16 =	vsel vm0, v23, v16  }
0x7b: {  	v63 =	vld [tilespmem:s20+$0xFFFFFE20];
	v14 =	vsel vm13, v23, v14;
	v12 =	vsel vm14, v23, v12;
	v10 =	vsel vm15, v23, v10  }
0x7c: {  	v28 =	vld [tilespmem:s20+$0xFFFFFEA0];
	v8 =	vsel vm4, v23, v8;
	v6 =	vsel vm5, v23, v6;
	vm8 =	vlt.f32 v57, v17  }
0x7d: {  	v31 =	vld [tilespmem:s20+$0xA0];
	vm9 =	vlt.f32 v58, v15;
	v17 =	vmin.f32 v17, v57;
	vm10 =	vlt.f32 v59, v13  }
0x7e: {  	v18 =	vld [tilespmem:s20+$0x100];
	v15 =	vmin.f32 v15, v58;
	vm11 =	vlt.f32 v60, v11;
	v13 =	vmin.f32 v13, v59  }
0x7f: {  	v37 =	vld [tilespmem:s20+$0xB0];
	v11 =	vmin.f32 v11, v60;
	vm13 =	vlt.f32 v25, v7;
	v7 =	vmin.f32 v7, v25  }
0x80: {  	v19 =	vld [tilespmem:s20+$0x180];
	v16 =	vsel vm8, v61, v16;
	v14 =	vsel vm9, v61, v14;
	v12 =	vsel vm10, v61, v12  }
0x81: {  	v62 =	vld [tilespmem:s20+$0x190];
	v10 =	vsel vm11, v61, v10;
	v6 =	vsel vm13, v61, v6;
	vm4 =	vlt.f32 v63, v17  }
0x82: {  	v29 =	vld [tilespmem:s20+$0xFFFFFFA0];
	v17 =	vmin.f32 v17, v63;
	vm5 =	vlt.f32 v28, v15;
	v15 =	vmin.f32 v15, v28  }
0x83: {  	vm9 =	vlt.f32 v31, v7;
	vm6 =	vlt.f32 v18, v5;
	v5 =	vmin.f32 v5, v18;
	v18 =	vld [tilespmem:s20+$0x10]  }
0x84: {  	v32 =	vld [tilespmem:s20+$0x120];
	v7 =	vmin.f32 v7, v31;
	v14 =	vsel vm5, v30, v14;
	v6 =	vsel vm9, v30, v6  }
0x85: {  	vm5 =	vlt.f32 v37, v7;
	vm7 =	vlt.f32 v19, v2;
	v2 =	vmin.f32 v2, v19;
	v19 =	vld [tilespmem:s20+$0x110]  }
0x86: {  	v35 =	vld [tilespmem:s20+$0xFFFFFFB0];
	v16 =	vsel vm4, v30, v16;
	v7 =	vmin.f32 v7, v37;
	v6 =	vsel vm5, v36, v6  }
0x87: {  	v33 =	vld [tilespmem:s20+$0xFFFFFE30];
	v4 =	vsel vm6, v23, v4;
	v3 =	vsel vm7, v23, v3;
	vm15 =	vlt.f32 v62, v2  }
0x88: {  	s21 =	sadd.s32 $0x1070, s21;
	v2 =	vmin.f32 v2, v62;
	vm12 =	vlt.f32 v18, v9;
	v9 =	vmin.f32 v9, v18;
	v18 =	vld [tilespmem:s20+$0xFFFFFF20]  }
0x89: {  	v34 =	vld [tilespmem:s20+$0xFFFFFF30];
	vm7 =	vlt.f32 v29, v11;
	v11 =	vmin.f32 v11, v29;
	v62 =	vor.u32 s21, v0  }
0x8a: {  	v3 =	vsel vm15, v61, v3;
	vm14 =	vlt.f32 v19, v5;
	v5 =	vmin.f32 v5, v19;
	v19 =	vld [tilespmem:s20+$0x20]  }
0x8b: {  	v38 =	vld [tilespmem:s20+$0x130];
	v10 =	vsel vm7, v30, v10;
	vm15 =	vlt.f32 v35, v11;
	v11 =	vmin.f32 v11, v35  }
0x8c: {  	v39 =	vld [tilespmem:s20+$0xFFFFFE40];
	v10 =	vsel vm15, v36, v10;
	v8 =	vsel vm12, v61, v8;
	v4 =	vsel vm14, v61, v4  }
0x8d: {  	vm10 =	vlt.f32 v32, v5;
	vm6 =	vlt.f32 v18, v13;
	v13 =	vmin.f32 v13, v18;
	v18 =	vld [tilespmem:s20+$0x1A0]  }
0x8e: {  	v40 =	vld [tilespmem:s20+$0xFFFFFEC0];
	v5 =	vmin.f32 v5, v32;
	vm12 =	vlt.f32 v33, v17;
	v17 =	vmin.f32 v17, v33  }
0x8f: {  	v4 =	vsel vm10, v30, v4;
	vm8 =	vlt.f32 v19, v9;
	v9 =	vmin.f32 v9, v19;
	v19 =	vld [tilespmem:s20+$0xFFFFFEB0]  }
0x90: {  	v41 =	vld [tilespmem:s20+$0xFFFFFFC0];
	v16 =	vsel vm12, v36, v16;
	v12 =	vsel vm6, v30, v12;
	v8 =	vsel vm8, v30, v8  }
0x91: {  	v42 =	vld [tilespmem:s20+$0x40];
	vm14 =	vlt.f32 v34, v13;
	v13 =	vmin.f32 v13, v34;
	vm6 =	vlt.f32 v38, v5  }
0x92: {  	v5 =	vmin.f32 v5, v38;
	vm11 =	vlt.f32 v18, v2;
	v2 =	vmin.f32 v2, v18;
	v18 =	vld [tilespmem:s20+$0x30]  }
0x93: {  	v44 =	vld [tilespmem:s20+$0xC0];
	vm8 =	vlt.f32 v39, v17;
	v17 =	vmin.f32 v17, v39;
	v12 =	vsel vm14, v36, v12  }
0x94: {  	v46 =	vld [tilespmem:s20+$0xFFFFFED0];
	v4 =	vsel vm6, v36, v4;
	v16 =	vsel vm8, v43, v16;
	vm13 =	vlt.f32 v19, v15  }
0x95: {  	v15 =	vmin.f32 v15, v19;
	v19 =	vld [tilespmem:s20+$0x1B0];
	v3 =	vsel vm11, v30, v3;
	v14 =	vsel vm13, v36, v14  }
0x96: {  	v45 =	vld [tilespmem:s20+$0x1C0];
	vm9 =	vlt.f32 v40, v15;
	v15 =	vmin.f32 v15, v40;
	vm11 =	vlt.f32 v41, v11  }
0x97: {  	v11 =	vmin.f32 v11, v41;
	vm4 =	vlt.f32 v18, v9;
	v9 =	vmin.f32 v9, v18;
	v18 =	vld [tilespmem:s20+$0xFFFFFF40]  }
0x98: {  	v48 =	vld [tilespmem:s20+$0xFFFFFFD0];
	vm13 =	vlt.f32 v44, v7;
	v7 =	vmin.f32 v7, v44;
	v14 =	vsel vm9, v43, v14  }
0x99: {  	v51 =	vld [tilespmem:s20+$0x1D0];
	v10 =	vsel vm11, v43, v10;
	v6 =	vsel vm13, v43, v6;
	vm5 =	vlt.f32 v46, v15  }
0x9a: {  	v53 =	vld [tilespmem:s20+$0xFFFFFFE0];
	v15 =	vmin.f32 v15, v46;
	v14 =	vsel vm5, v49, v14;
	vm7 =	vlt.f32 v19, v2  }
0x9b: {  	v2 =	vmin.f32 v2, v19;
	v19 =	vld [tilespmem:s20+$0x140];
	v8 =	vsel vm4, v36, v8;
	v3 =	vsel vm7, v36, v3  }
0x9c: {  	vm12 =	vlt.f32 v42, v9;
	vm10 =	vlt.f32 v18, v13;
	v13 =	vmin.f32 v13, v18;
	v18 =	vld [tilespmem:s20+$0xFFFFFE50]  }
0x9d: {  	v60 =	vld [tilespmem:s20+$0xFFFFFFF0];
	v9 =	vmin.f32 v9, v42;
	vm15 =	vlt.f32 v45, v2;
	v2 =	vmin.f32 v2, v45  }
0x9e: {  	v47 =	vld [tilespmem:s20+$0xFFFFFF50];
	vm7 =	vlt.f32 v48, v11;
	v11 =	vmin.f32 v11, v48;
	v8 =	vsel vm12, v43, v8  }
0x9f: {  	v50 =	vld [tilespmem:s20+$0x150];
	v3 =	vsel vm15, v43, v3;
	v10 =	vsel vm7, v49, v10;
	vm11 =	vlt.f32 v51, v2  }
0xa0: {  	vm15 =	vlt.f32 v53, v11;
	vm14 =	vlt.f32 v19, v5;
	v5 =	vmin.f32 v5, v19;
	v19 =	vld [tilespmem:s20+$0x50]  }
0xa1: {  	v11 =	vmin.f32 v11, v53;
	vm4 =	vlt.f32 v18, v17;
	v17 =	vmin.f32 v17, v18;
	v18 =	vld [tilespmem:s20+$0xD0]  }
0xa2: {  	v57 =	vld [tilespmem:s20+$0x160];
	v3 =	vsel vm11, v49, v3;
	v10 =	vsel vm15, v55, v10;
	vm11 =	vlt.f32 v60, v11  }
0xa3: {  	v52 =	vld [tilespmem:s20+$0xFFFFFE60];
	v2 =	vmin.f32 v2, v51;
	v11 =	vmin.f32 v11, v60;
	v10 =	vsel vm11, v62, v10  }
0xa4: {  	v54 =	vld [tilespmem:s20+$0x60];
	v12 =	vsel vm10, v43, v12;
	v4 =	vsel vm14, v43, v4;
	vm6 =	vlt.f32 v47, v13  }
0xa5: {  	vm10 =	vlt.f32 v50, v5;
	vm8 =	vlt.f32 v19, v9;
	v9 =	vmin.f32 v9, v19;
	v19 =	vld [tilespmem:s20+$0xFFFFFEE0]  }
0xa6: {  	v5 =	vmin.f32 v5, v50;
	vm9 =	vlt.f32 v18, v7;
	v7 =	vmin.f32 v7, v18;
	v18 =	vld [tilespmem:s20+$0xFFFFFF60]  }
0xa7: {  	v61 =	vld [tilespmem:s20+$0x70];
	v12 =	vsel vm6, v49, v12;
	v4 =	vsel vm10, v49, v4;
	vm6 =	vlt.f32 v57, v5  }
0xa8: {  	v56 =	vld [tilespmem:s20+$0xE0];
	v13 =	vmin.f32 v13, v47;
	v5 =	vmin.f32 v5, v57;
	v4 =	vsel vm6, v55, v4  }
0xa9: {  	v58 =	vld [tilespmem:s20+$0xFFFFFEF0];
	v16 =	vsel vm4, v49, v16;
	v8 =	vsel vm8, v49, v8;
	vm12 =	vlt.f32 v52, v17  }
0xaa: {  	vm4 =	vlt.f32 v54, v9;
	vm13 =	vlt.f32 v19, v15;
	v15 =	vmin.f32 v15, v19;
	v19 =	vld [tilespmem:s20+$0x1E0]  }
0xab: {  	v9 =	vmin.f32 v9, v54;
	vm14 =	vlt.f32 v18, v13;
	v13 =	vmin.f32 v13, v18;
	v18 =	vld [tilespmem:s20+$0xFFFFFE70]  }
0xac: {  	v63 =	vld [tilespmem:s20+$0xF0];
	v16 =	vsel vm12, v55, v16;
	v8 =	vsel vm4, v55, v8;
	vm12 =	vlt.f32 v61, v9  }
0xad: {  	v17 =	vmin.f32 v17, v52;
	v9 =	vmin.f32 v9, v61;
	v8 =	vsel vm12, v62, v8  }
0xae: {  	v59 =	vld [tilespmem:s20+$0xFFFFFF70];
	v6 =	vsel vm9, v49, v6;
	v14 =	vsel vm13, v55, v14;
	vm5 =	vlt.f32 v56, v7  }
0xaf: {  	v7 =	vmin.f32 v7, v56;
	vm7 =	vlt.f32 v19, v2;
	v2 =	vmin.f32 v2, v19;
	v19 =	vld [tilespmem:s20+$0x170]  }
0xb0: {  	vm9 =	vlt.f32 v58, v15;
	vm8 =	vlt.f32 v18, v17;
	v17 =	vmin.f32 v17, v18;
	v18 =	vld [tilespmem:s20+$0x1F0]  }
0xb1: {  	p1 =	sne.s32 s19, $0xF80;
	v15 =	vmin.f32 v15, v58;
	v6 =	vsel vm5, v55, v6;
	vm13 =	vlt.f32 v63, v7  }
.Ltmp2:
0xb2: {  	v14 =	vsel vm9, v62, v14;
	v7 =	vmin.f32 v7, v63;
	v6 =	vsel vm13, v62, v6;
	(pc) =	sbr.rel @p1 .LBB2_7-.Ltmp2, $4  }
0xb3: {  	v12 =	vsel vm14, v55, v12;
	v3 =	vsel vm7, v55, v3;
	vm10 =	vlt.f32 v59, v13  }
0xb4: {  	v13 =	vmin.f32 v13, v59;
	v12 =	vsel vm10, v62, v12;
	vm14 =	vlt.f32 v19, v5  }
0xb5: {  	v5 =	vmin.f32 v5, v19;
	v16 =	vsel vm8, v62, v16;
	vm15 =	vlt.f32 v18, v2  }
0xb6: {  	s19 =	sadd.s32 $0x80, s19;
	s20 =	sadd.s32 $0x400, s20;
	v4 =	vsel vm14, v62, v4;
	v2 =	vmin.f32 v2, v18;
	v3 =	vsel vm15, v62, v3  }
0xb7: {  	p1 =	slt.s32 s18, $0xC  }
0xb8: {  	s17 =	sadd.s32 $0x1, s17;
	s18 =	simm.s32 @!p1 $0xC  }
0xb9: {  	p1 =	sne.s32 s17, $0x4;
	s18 =	sadd.s32 $0x3, s18  }
.Ltmp3:
0xba: {  	s19 =	sshrl.u32 s18, $0x3;
	s18 =	sshll.u32 s18, $0xC;
	(pc) =	sbr.rel @p1 .LBB2_4-.Ltmp3, $4  }
0xbb: {  	s19 =	sadd.s32 s4, s19;
	s18 =	sand.u32 $0x7000, s18  }
0xbc: {  	s19 =	sshll.u32 s19, $0xF;
	s18 =	sadd.s32 s2, s18  }
0xbd: {  	s16 =	sadd.s32 $0x2000, s16;
	s18 =	sadd.s32 s19, s18  }
0xbe: {  	[tilespmem:s9], [sflag:$0x2] =	stream.linear.gather [hbm4b:s18+s3], $0x8000, $0x38;
	[tilespmem:$0x10010] =	vst v63  }
0xbf: {  	(xrf0) =	vmin.scan.msk.f32 $0xffff, v17;
	_ =	sdelay $0x5  }
0xc0: {  	v18, _, _ =	vpop (xrf0)  }
0xc1: {  	v18 =	vbroadcast v18, $0xF;
	_ =	sdelay $0x1  }
0xc2: {  	v16 =	vxor.u32 $0x80000000, v16;
	vm0 =	veq.f32 v17, v18  }
0xc3: {  	v16 =	vnsel vm0, $0xFFFFFFFF, v16  }
0xc4: {  	(xrf0) =	vmin.scan.msk.u32 $0xffff, v16  }
0xc5: {  	(xrf0) =	vmin.scan.msk.f32 $0xffff, v15;
	_ =	sdelay $0x4  }
0xc6: {  	v16, _, _ =	vpop (xrf0)  }
0xc7: {  	v57, _, _ =	vpop (xrf0)  }
0xc8: {  	v17 =	vbroadcast v57, $0xF;
	_ =	sdelay $0x1  }
0xc9: {  	v14 =	vxor.u32 $0x80000000, v14;
	vm13 =	veq.f32 v15, v17  }
0xca: {  	v14 =	vnsel vm13, $0xFFFFFFFF, v14  }
0xcb: {  	(xrf0) =	vmin.scan.msk.u32 $0xffff, v14  }
0xcc: {  	(xrf0) =	vmin.scan.msk.f32 $0xffff, v13;
	_ =	sdelay $0x4  }
0xcd: {  	v14, _, _ =	vpop (xrf0)  }
0xce: {  	v58, _, _ =	vpop (xrf0)  }
0xcf: {  	v15 =	vbroadcast v58, $0xF;
	_ =	sdelay $0x1  }
0xd0: {  	v12 =	vxor.u32 $0x80000000, v12;
	vm14 =	veq.f32 v13, v15  }
0xd1: {  	v12 =	vnsel vm14, $0xFFFFFFFF, v12  }
0xd2: {  	(xrf0) =	vmin.scan.msk.u32 $0xffff, v12  }
0xd3: {  	(xrf0) =	vmin.scan.msk.f32 $0xffff, v11;
	_ =	sdelay $0x4  }
0xd4: {  	v12, _, _ =	vpop (xrf0)  }
0xd5: {  	v59, _, _ =	vpop (xrf0)  }
0xd6: {  	v13 =	vbroadcast v59, $0xF;
	_ =	sdelay $0x1  }
0xd7: {  	v10 =	vxor.u32 $0x80000000, v10;
	vm15 =	veq.f32 v11, v13  }
0xd8: {  	v10 =	vnsel vm15, $0xFFFFFFFF, v10  }
0xd9: {  	(xrf0) =	vmin.scan.msk.u32 $0xffff, v10  }
0xda: {  	(xrf0) =	vmin.scan.msk.f32 $0xffff, v9;
	_ =	sdelay $0x4  }
0xdb: {  	v10, _, _ =	vpop (xrf0)  }
0xdc: {  	v60, _, _ =	vpop (xrf0)  }
0xdd: {  	v11 =	vbroadcast v60, $0xF;
	_ =	sdelay $0x1  }
0xde: {  	v8 =	vxor.u32 $0x80000000, v8;
	vm4 =	veq.f32 v9, v11  }
0xdf: {  	v8 =	vnsel vm4, $0xFFFFFFFF, v8  }
0xe0: {  	(xrf0) =	vmin.scan.msk.u32 $0xffff, v8  }
0xe1: {  	(xrf0) =	vmin.scan.msk.f32 $0xffff, v7;
	_ =	sdelay $0x4  }
0xe2: {  	v8, _, _ =	vpop (xrf0)  }
0xe3: {  	v61, _, _ =	vpop (xrf0)  }
0xe4: {  	v9 =	vbroadcast v61, $0xF;
	_ =	sdelay $0x1  }
0xe5: {  	v6 =	vxor.u32 $0x80000000, v6;
	vm5 =	veq.f32 v7, v9  }
0xe6: {  	v6 =	vnsel vm5, $0xFFFFFFFF, v6  }
0xe7: {  	(xrf0) =	vmin.scan.msk.u32 $0xffff, v6  }
0xe8: {  	(xrf0) =	vmin.scan.msk.f32 $0xffff, v5;
	_ =	sdelay $0x4  }
0xe9: {  	v6, _, _ =	vpop (xrf0)  }
0xea: {  	v62, _, _ =	vpop (xrf0)  }
0xeb: {  	v7 =	vbroadcast v62, $0xF;
	_ =	sdelay $0x1  }
0xec: {  	v4 =	vxor.u32 $0x80000000, v4;
	vm6 =	veq.f32 v5, v7  }
0xed: {  	v4 =	vnsel vm6, $0xFFFFFFFF, v4  }
0xee: {  	(xrf0) =	vmin.scan.msk.u32 $0xffff, v4  }
0xef: {  	(xrf0) =	vmin.scan.msk.f32 $0xffff, v2;
	_ =	sdelay $0x4  }
0xf0: {  	v4, _, _ =	vpop (xrf0)  }
0xf1: {  	v63, _, _ =	vpop (xrf0)  }
0xf2: {  	v5 =	vbroadcast v63, $0xF;
	_ =	sdelay $0x1  }
0xf3: {  	vm7 =	veq.f32 v2, v5;
	v2 =	vxor.u32 $0x80000000, v3  }
0xf4: {  	v2 =	vnsel vm7, $0xFFFFFFFF, v2  }
0xf5: {  	(v2sf) =	vpush v16, $0xF;
	(xrf0) =	vmin.scan.msk.u32 $0xffff, v2  }
0xf6: {  	(v2sf) =	vpush v14, $0xF  }
0xf7: {  	(v2sf) =	vpush v12, $0xF  }
0xf8: {  	(v2sf) =	vpush v10, $0xF  }
0xf9: {  	(v2sf) =	vpush v8, $0xF  }
0xfa: {  	(v2sf) =	vpush v6, $0xF  }
0xfb: {  	(v2sf) =	vpush v4, $0xF;
	v2, _, _ =	vpop (xrf0)  }
0xfc: {  	(v2sf) =	vpush v2, $0xF;
	_ =	sdelay $0x7  }
0xfd: {  	s17 =	sor.u32 $0x1, s15;
	s30 =	sor.u32 $0x2, s15;
	s16 =	spop (v2sf);
	v2 =	vmov s15  }
0xfe: {  	s19 =	sor.u32 $0x3, s15;
	s16 =	sxor.u32 $0x80000000, s16;
	s18 =	spop (v2sf);
	vm8 =	veq.s32 v2, v0;
	v2 =	vmov s17  }
0xff: {  	s21 =	sor.u32 $0x4, s15;
	s18 =	sxor.u32 $0x80000000, s18;
	s31 =	spop (v2sf);
	v1 =	vsel vm8, s16, v1;
	vm9 =	veq.s32 v2, v0;
	v2 =	vmov s30  }
0x100: {  	s23 =	sor.u32 $0x5, s15;
	s20 =	spop (v2sf);
	s16 =	sxor.u32 $0x80000000, s31;
	v1 =	vsel vm9, s18, v1;
	vm10 =	veq.s32 v2, v0;
	v2 =	vmov s19  }
0x101: {  	s25 =	sor.u32 $0x6, s15;
	s22 =	spop (v2sf);
	s18 =	sxor.u32 $0x80000000, s20;
	v1 =	vsel vm10, s16, v1;
	vm11 =	veq.s32 v2, v0;
	v2 =	vmov s21  }
.Ltmp4:
0x102: {  	s24 =	spop (v2sf);
	s16 =	sxor.u32 $0x80000000, s22;
	v1 =	vsel vm11, s18, v1;
	vm12 =	veq.s32 v2, v0;
	v2 =	vmov s23;
	(pc) =	sbr.rel @!p0 .LBB2_3-.Ltmp4, $4  }
0x103: {  	s29 =	sor.u32 $0x7, s15;
	v3 =	vmov s25;
	s28 =	sxor.u32 $0x80000000, s24;
	s26 =	spop (v2sf);
	v1 =	vsel vm12, s16, v1;
	vm13 =	veq.s32 v2, v0  }
0x104: {  	vm14 =	veq.s32 v3, v0;
	s16 =	sxor.u32 $0x80000000, s26;
	v2 =	vmov s29;
	v1 =	vsel vm13, s28, v1;
	s30 =	spop (v2sf)  }
0x105: {  	vm15 =	veq.s32 v2, v0;
	v1 =	vsel vm14, s16, v1;
	s31 =	sxor.u32 $0x80000000, s30  }
0x106: {  	p1 =	por $0x1, $0x1;
	s15 =	simm.s32 $0x8;
	v1 =	vsel vm15, s31, v1  }
0x107: {  	[tilespmem:$0x10000] =	vst v1  }
0x108: {  	_ =	swait.ge [sflag:s10], $0x8000  }
0x109: {  	[sflag:s10] =	ssyncset.done $0x0  }
0x10a: {  	[sflag:s10] =	ssyncadd.s32 $0xFFFF8000  }
0x10b: {  	s14 =	sadd.s32 $0x1, s14;
	_ =	swait.ge [sflag:s11], $0x8000  }
0x10c: {  	p0 =	sne.s32 s14, s8;
	[sflag:s11] =	ssyncset.done $0x0  }
.Ltmp5:
0x10d: {  	[sflag:s11] =	ssyncadd.s32 $0xFFFF8000;
	(pc) =	sbr.rel @p0 .LBB2_2-.Ltmp5, $4  }
0x10e: {  	[hbm4b:s6+s3] =	stream.linear.scatter [tilespmem:s12], [sflag:$0x3], $0x10, $0x38;
	[tilespmem:$0x10010] =	vst v63  }
0x10f: {  	_ =	swait.ge [sflag:s13], $0x10  }
0x110: {  	[sflag:s13] =	ssyncset.done $0x0  }
0x111: {  	[sflag:s13] =	ssyncadd.s32 $0xFFFFFFF0  }
.LBB2_11:
0x112: {  	_ =	sfence.sel $0x180000  }
0x113: {  	[bflag:$0x0] =	sbarrier.arrive $0xFFFF  }
0x114: {  	p0 =	sne.s32 s1, $0x0;
	_ =	strace $0x90000047  }
0x115: {  	s0 =	sadd.s32 @!p0 $0x100000, s0;
	[bflag:$0x2] =	sbarrier.arrive $0xFFFF  }
0x116: {  	[sflag:s0] =	ssyncadd.tile.s32 @!p0 $0x1;
	_ =	shalt  }
.Lfunc_end2:
_tile_overlayer_lowered:
.L_overlay_start_2:
0x117: {  	(tag) =	ssettag $0x2  }
0x118: {  	s0 =	rddreg [dreg:$0x0];
	s2 =	stileid.u32  }
0x119: {  	s1 =	rddreg [dreg:$0x1];
	p0 =	sne.s32 s2, $0x0  }
0x11a: {  	s3 =	rddreg [dreg:$0x2];
	[bflag:$0x3] =	sbarrier.arrive $0xFFFF;
	s2 =	simm.s32 @!p0 $0x1C03  }
0x11b: {  	[timem:s3], [sflag:s2] =	dma.local @!p0 [hbm:s0], s1  }
0x11c: {  	s0 =	simm.s32 @!p0 $0x3  }
0x11d: {  	_ =	swait.ge @!p0 [sflag:s0], s1  }
0x11e: {  	s1 =	ssub.s32 @!p0 $0x0, s1;
	[sflag:s0] =	ssyncset.done @!p0 $0x0  }
0x11f: {  	[sflag:s0] =	ssyncadd.s32 @!p0 s1  }
0x120: {  	[bflag:$0x3] =	sbarrier.arrive $0xFFFF  }
0x121: {  	_ =	shalt  }

</sc_bundles>
